<compile_context>
chip_gen: v7x
topology: tpu7x:2x2x1
jax: 0.10.2.dev20260603
libtpu: 0.0.44.dev20260713+nightly
codegen_flags: <defaults>
</compile_context>

<pallas_src>
import jax
import jax.numpy as jnp
from jax import lax
from jax.experimental import pallas as pl
from jax.experimental.pallas import tpu as pltpu
from jax.experimental.pallas import tpu_sc as plsc

BATCH = 16384
EMBED_DIM = 32
NUM_CORES = 2
NUM_SUBCORES = 16
LANES = 16
NUM_WORKERS = NUM_CORES * NUM_SUBCORES
B_PER_W = BATCH // NUM_WORKERS
GROUPS = B_PER_W // LANES


def _mf_kernel(user_hbm, mission_hbm, uemb_hbm, memb_hbm, ubias_hbm,
               mbias_hbm, bias_hbm, out_hbm,
               uidx_v, midx_v, urows_v, mrows_v, ub_v, mb_v, bias_v, out_v,
               sem_u, sem_m, sem_ub, sem_mb):
    wid = lax.axis_index("s") * NUM_CORES + lax.axis_index("c")
    base = wid * B_PER_W

    bias_v[...] = jnp.zeros((LANES,), jnp.float32)
    zidx = uidx_v
    zidx[pl.ds(0, LANES)] = jnp.zeros((LANES,), jnp.int32)
    pltpu.sync_copy(bias_hbm.at[zidx.at[pl.ds(0, LANES)]], bias_v)
    bias_vec = bias_v[...]

    pltpu.sync_copy(user_hbm.at[pl.ds(base, B_PER_W)], uidx_v)
    pltpu.sync_copy(mission_hbm.at[pl.ds(base, B_PER_W)], midx_v)

    cp_u = pltpu.async_copy(uemb_hbm.at[uidx_v], urows_v, sem_u)
    cp_m = pltpu.async_copy(memb_hbm.at[midx_v], mrows_v, sem_m)
    cp_ub = pltpu.async_copy(ubias_hbm.at[uidx_v], ub_v, sem_ub)
    cp_mb = pltpu.async_copy(mbias_hbm.at[midx_v], mb_v, sem_mb)
    cp_u.wait()
    cp_m.wait()
    cp_ub.wait()
    cp_mb.wait()

    lane_iota = lax.iota(jnp.int32, LANES)

    def group_body(g, carry):
        off = g * LANES
        rows = off + lane_iota
        acc = ub_v[pl.ds(off, LANES)] + mb_v[pl.ds(off, LANES)] + bias_vec
        for d in range(EMBED_DIM):
            col = jnp.full((LANES,), d, jnp.int32)
            uv = plsc.load_gather(urows_v, [rows, col])
            mv = plsc.load_gather(mrows_v, [rows, col])
            acc = acc + uv * mv
        out_v[pl.ds(off, LANES)] = acc
        return carry

    lax.fori_loop(0, GROUPS, group_body, 0)

    pltpu.sync_copy(out_v, out_hbm.at[pl.ds(base, B_PER_W)])


@jax.jit
def _run(user, mission, uemb, memb, ubias, mbias, bias):
    mesh = plsc.VectorSubcoreMesh(core_axis_name="c", subcore_axis_name="s")
    kfn = pl.kernel(
        _mf_kernel,
        out_type=jax.ShapeDtypeStruct((BATCH,), jnp.float32),
        mesh=mesh,
        compiler_params=pltpu.CompilerParams(needs_layout_passes=False,
                                             use_tc_tiling_on_sc=False),
        scratch_types=[
            pltpu.VMEM((B_PER_W,), jnp.int32),
            pltpu.VMEM((B_PER_W,), jnp.int32),
            pltpu.VMEM((B_PER_W, EMBED_DIM), jnp.float32),
            pltpu.VMEM((B_PER_W, EMBED_DIM), jnp.float32),
            pltpu.VMEM((B_PER_W,), jnp.float32),
            pltpu.VMEM((B_PER_W,), jnp.float32),
            pltpu.VMEM((LANES,), jnp.float32),
            pltpu.VMEM((B_PER_W,), jnp.float32),
            pltpu.SemaphoreType.DMA,
            pltpu.SemaphoreType.DMA,
            pltpu.SemaphoreType.DMA,
            pltpu.SemaphoreType.DMA,
        ],
    )
    return kfn(user, mission, uemb, memb, ubias, mbias, bias)


def kernel(user, mission, user_embedding, mission_embedding, user_bias,
           mission_bias, bias):
    user = user.astype(jnp.int32)
    mission = mission.astype(jnp.int32)
    return _run(user, mission, user_embedding, mission_embedding,
                user_bias.reshape(-1), mission_bias.reshape(-1),
                bias.reshape(-1))

# --- scband reference (transcript-rebuilt; emitter-appended) ---
"""Pipeline reference for scband-mission-matrix-factorization-31078383354133 (READ-ONLY COPY).

The authoritative reference and input builder live on the scoring server;
editing this copy changes nothing except your own understanding.
"""

import jax, jax.numpy as jnp
import numpy as np

NUM_USERS = 1000000
NUM_MISSIONS = 100000
EMBED_DIM = 32
BATCH = 16384


def setup_inputs(seed: int = 0) -> dict:
    key = jax.random.key(seed)
    k1, k2, k3, k4, k5, k6 = jax.random.split(key, 6)
    user = jax.random.randint(k1, (BATCH,), 0, NUM_USERS, dtype=jnp.int64 if jax.config.jax_enable_x64 else jnp.int32)
    mission = jax.random.randint(k2, (BATCH,), 0, NUM_MISSIONS, dtype=jnp.int64 if jax.config.jax_enable_x64 else jnp.int32)
    user_embedding = jax.random.normal(k3, (NUM_USERS, EMBED_DIM), dtype=jnp.float32)
    mission_embedding = jax.random.normal(k4, (NUM_MISSIONS, EMBED_DIM), dtype=jnp.float32)
    user_bias = jax.random.normal(k5, (NUM_USERS, 1), dtype=jnp.float32)
    mission_bias = jax.random.normal(k6, (NUM_MISSIONS, 1), dtype=jnp.float32)
    bias = jnp.zeros((1,), dtype=jnp.float32)
    return {
        "user": user,
        "mission": mission,
        "user_embedding": user_embedding,
        "mission_embedding": mission_embedding,
        "user_bias": user_bias,
        "mission_bias": mission_bias,
        "bias": bias,
    }


def reference(user, mission, user_embedding, mission_embedding, user_bias, mission_bias, bias):
    user_emb = jnp.take(user_embedding, user, axis=0)          # [B, D]
    mission_emb = jnp.take(mission_embedding, mission, axis=0)  # [B, D]
    ub = jnp.take(user_bias, user, axis=0)                      # [B, 1]
    mb = jnp.take(mission_bias, mission, axis=0)                # [B, 1]
    dot = jnp.sum(user_emb * mission_emb, axis=1) + jnp.squeeze(ub, axis=1) + jnp.squeeze(mb, axis=1) + bias
    return dot.reshape(-1)

if __name__ == "__main__":
    import jax
    _d = setup_inputs()
    print(jax.jit(kernel)(*tuple(_d.values())))

</pallas_src>

<mosaic_0001>
#map = affine_map<(d0, d1) -> (0)>
#map1 = affine_map<(d0, d1) -> (0, 0)>
module attributes {stable_mosaic.version = 14 : i64} {
  func.func @_mf_kernel(%arg0: i32, %arg1: i32, %arg2: memref<16384xi32, #tpu.memory_space<hbm>>, %arg3: memref<16384xi32, #tpu.memory_space<hbm>>, %arg4: memref<1000000x32xf32, #tpu.memory_space<hbm>>, %arg5: memref<100000x32xf32, #tpu.memory_space<hbm>>, %arg6: memref<1000000xf32, #tpu.memory_space<hbm>>, %arg7: memref<100000xf32, #tpu.memory_space<hbm>>, %arg8: memref<1xf32, #tpu.memory_space<hbm>>, %arg9: memref<16384xf32, #tpu.memory_space<hbm>>, %arg10: memref<512xi32, #tpu.memory_space<vmem>>, %arg11: memref<512xi32, #tpu.memory_space<vmem>>, %arg12: memref<512x32xf32, #tpu.memory_space<vmem>>, %arg13: memref<512x32xf32, #tpu.memory_space<vmem>>, %arg14: memref<512xf32, #tpu.memory_space<vmem>>, %arg15: memref<512xf32, #tpu.memory_space<vmem>>, %arg16: memref<16xf32, #tpu.memory_space<vmem>>, %arg17: memref<512xf32, #tpu.memory_space<vmem>>, %arg18: memref<!tpu.dma_semaphore, #tpu.memory_space<semaphore_mem>>, %arg19: memref<!tpu.dma_semaphore, #tpu.memory_space<semaphore_mem>>, %arg20: memref<!tpu.dma_semaphore, #tpu.memory_space<semaphore_mem>>, %arg21: memref<!tpu.dma_semaphore, #tpu.memory_space<semaphore_mem>>) attributes {dimension_semantics = [#tpu.dimension_semantics<core_parallel>, #tpu.dimension_semantics<subcore_parallel>], iteration_bounds = array<i64: 2, 16>, scalar_prefetch = 0 : i64, scratch_operands = 12 : i64, tpu.core_type = #tpu.core_type<sc_vector_subcore>, window_params = [{transform_indices = #map}, {transform_indices = #map}, {transform_indices = #map1}, {transform_indices = #map1}, {transform_indices = #map}, {transform_indices = #map}, {transform_indices = #map}, {transform_indices = #map}]} {
    %mul3A = arith.constant 2 : i32
    %mul3A_0 = arith.muli %arg1, %mul3A : i32
    %add3A = arith.addi %mul3A_0, %arg0 : i32
    %mul3A_1 = arith.constant 512 : i32
    %mul3A_2 = arith.muli %add3A, %mul3A_1 : i32
    %broadcast_in_dim3A = arith.constant 0.000000e+00 : f32
    %broadcast_in_dim3A_3 = vector.broadcast %broadcast_in_dim3A : f32 to vector<16xf32>
    %swap3A = arith.constant 0 : index
    %swap3A_4 = tpu.vector_load %arg16[%swap3A] {strides = array<i32>} : memref<16xf32, #tpu.memory_space<vmem>>, vector<16xf32>,
    tpu.vector_store %arg16[%swap3A], %broadcast_in_dim3A_3 {strides = array<i32>} : memref<16xf32, #tpu.memory_space<vmem>>, vector<16xf32>,
    %broadcast_in_dim3A_5 = arith.constant 0 : i32
    %broadcast_in_dim3A_6 = vector.broadcast %broadcast_in_dim3A_5 : i32 to vector<16xi32>
    %swap3A_7 = arith.constant 0 : index
    %swap3A_8 = tpu.vector_load %arg10[%swap3A_7] {strides = array<i32>} : memref<512xi32, #tpu.memory_space<vmem>>, vector<16xi32>,
    tpu.vector_store %arg10[%swap3A_7], %broadcast_in_dim3A_6 {strides = array<i32>} : memref<512xi32, #tpu.memory_space<vmem>>, vector<16xi32>,
    "tpu.region"() ({
      %run_scoped3A = tpu.sem_alloc : memref<!tpu.dma_semaphore, #tpu.memory_space<semaphore_mem>>
      %dma_start3A_33 = arith.constant 0 : i32
      %dma_start3A_34 = tpu.memref_slice %arg10[%dma_start3A_33] : memref<512xi32, #tpu.memory_space<vmem>> -> memref<16xi32, #tpu.memory_space<vmem>>
      %dma_start3A_35 = arith.constant 0 : i32
      %dma_start3A_36 = tpu.memref_slice %arg8[%dma_start3A_35] : memref<1xf32, #tpu.memory_space<hbm>> -> memref<1xf32, #tpu.memory_space<hbm>>
      tpu.enqueue_indirect_dma source(%dma_start3A_36 : memref<1xf32, #tpu.memory_space<hbm>>) target(%arg16 : memref<16xf32, #tpu.memory_space<vmem>>) offsets(%dma_start3A_34 : memref<16xi32, #tpu.memory_space<vmem>>) semaphore(%run_scoped3A : memref<!tpu.dma_semaphore, #tpu.memory_space<semaphore_mem>>)
      %dma_wait3A_37 = arith.constant 0 : i32
      %dma_wait3A_38 = tpu.memref_slice %arg10[%dma_wait3A_37] : memref<512xi32, #tpu.memory_space<vmem>> -> memref<16xi32, #tpu.memory_space<vmem>>
      %dma_wait3A_39 = arith.constant 0 : i32
      %dma_wait3A_40 = tpu.memref_slice %arg8[%dma_wait3A_39] : memref<1xf32, #tpu.memory_space<hbm>> -> memref<1xf32, #tpu.memory_space<hbm>>
      tpu.wait_indirect_dma semaphore(%run_scoped3A : memref<!tpu.dma_semaphore, #tpu.memory_space<semaphore_mem>>) src(%dma_wait3A_40 : memref<1xf32, #tpu.memory_space<hbm>>) dst(%arg16 : memref<16xf32, #tpu.memory_space<vmem>>)
      tpu.yield
    }) : () -> ()
    %get3A = arith.constant 0 : index
    %get3A_9 = tpu.vector_load %arg16[%get3A] {strides = array<i32>} : memref<16xf32, #tpu.memory_space<vmem>>, vector<16xf32>,
    "tpu.region"() ({
      %run_scoped3A = tpu.sem_alloc : memref<!tpu.dma_semaphore, #tpu.memory_space<semaphore_mem>>
      %dma_start3A_33 = tpu.memref_slice %arg2[%mul3A_2] : memref<16384xi32, #tpu.memory_space<hbm>> -> memref<512xi32, #tpu.memory_space<hbm>>
      %dma_start3A_34 = tpu.memref_slice %arg2[%mul3A_2] : memref<16384xi32, #tpu.memory_space<hbm>> -> memref<512xi32, #tpu.memory_space<hbm>>
      tpu.enqueue_dma source(%dma_start3A_34 : memref<512xi32, #tpu.memory_space<hbm>>) target(%arg10 : memref<512xi32, #tpu.memory_space<vmem>>) target_semaphore(%run_scoped3A : memref<!tpu.dma_semaphore, #tpu.memory_space<semaphore_mem>>)
      %dma_wait3A_35 = tpu.memref_slice %arg2[%mul3A_2] : memref<16384xi32, #tpu.memory_space<hbm>> -> memref<512xi32, #tpu.memory_space<hbm>>
      %dma_wait3A_36 = tpu.memref_slice %arg2[%mul3A_2] : memref<16384xi32, #tpu.memory_space<hbm>> -> memref<512xi32, #tpu.memory_space<hbm>>
      tpu.wait_dma2 semaphore(%run_scoped3A : memref<!tpu.dma_semaphore, #tpu.memory_space<semaphore_mem>>) src(%dma_wait3A_36 : memref<512xi32, #tpu.memory_space<hbm>>) dst(%arg10 : memref<512xi32, #tpu.memory_space<vmem>>)
      tpu.yield
    }) : () -> ()
    "tpu.region"() ({
      %run_scoped3A = tpu.sem_alloc : memref<!tpu.dma_semaphore, #tpu.memory_space<semaphore_mem>>
      %dma_start3A_33 = tpu.memref_slice %arg3[%mul3A_2] : memref<16384xi32, #tpu.memory_space<hbm>> -> memref<512xi32, #tpu.memory_space<hbm>>
      %dma_start3A_34 = tpu.memref_slice %arg3[%mul3A_2] : memref<16384xi32, #tpu.memory_space<hbm>> -> memref<512xi32, #tpu.memory_space<hbm>>
      tpu.enqueue_dma source(%dma_start3A_34 : memref<512xi32, #tpu.memory_space<hbm>>) target(%arg11 : memref<512xi32, #tpu.memory_space<vmem>>) target_semaphore(%run_scoped3A : memref<!tpu.dma_semaphore, #tpu.memory_space<semaphore_mem>>)
      %dma_wait3A_35 = tpu.memref_slice %arg3[%mul3A_2] : memref<16384xi32, #tpu.memory_space<hbm>> -> memref<512xi32, #tpu.memory_space<hbm>>
      %dma_wait3A_36 = tpu.memref_slice %arg3[%mul3A_2] : memref<16384xi32, #tpu.memory_space<hbm>> -> memref<512xi32, #tpu.memory_space<hbm>>
      tpu.wait_dma2 semaphore(%run_scoped3A : memref<!tpu.dma_semaphore, #tpu.memory_space<semaphore_mem>>) src(%dma_wait3A_36 : memref<512xi32, #tpu.memory_space<hbm>>) dst(%arg11 : memref<512xi32, #tpu.memory_space<vmem>>)
      tpu.yield
    }) : () -> ()
    %dma_start3A = arith.constant 0 : i32
    %dma_start3A_10 = arith.constant 0 : i32
    %dma_start3A_11 = tpu.memref_slice %arg4[%dma_start3A, %dma_start3A_10] : memref<1000000x32xf32, #tpu.memory_space<hbm>> -> memref<1000000x32xf32, #tpu.memory_space<hbm>>
    tpu.enqueue_indirect_dma source(%dma_start3A_11 : memref<1000000x32xf32, #tpu.memory_space<hbm>>) target(%arg12 : memref<512x32xf32, #tpu.memory_space<vmem>>) offsets(%arg10 : memref<512xi32, #tpu.memory_space<vmem>>) semaphore(%arg18 : memref<!tpu.dma_semaphore, #tpu.memory_space<semaphore_mem>>)
    %dma_start3A_12 = arith.constant 0 : i32
    %dma_start3A_13 = arith.constant 0 : i32
    %dma_start3A_14 = tpu.memref_slice %arg5[%dma_start3A_12, %dma_start3A_13] : memref<100000x32xf32, #tpu.memory_space<hbm>> -> memref<100000x32xf32, #tpu.memory_space<hbm>>
    tpu.enqueue_indirect_dma source(%dma_start3A_14 : memref<100000x32xf32, #tpu.memory_space<hbm>>) target(%arg13 : memref<512x32xf32, #tpu.memory_space<vmem>>) offsets(%arg11 : memref<512xi32, #tpu.memory_space<vmem>>) semaphore(%arg19 : memref<!tpu.dma_semaphore, #tpu.memory_space<semaphore_mem>>)
    %dma_start3A_15 = arith.constant 0 : i32
    %dma_start3A_16 = tpu.memref_slice %arg6[%dma_start3A_15] : memref<1000000xf32, #tpu.memory_space<hbm>> -> memref<1000000xf32, #tpu.memory_space<hbm>>
    tpu.enqueue_indirect_dma source(%dma_start3A_16 : memref<1000000xf32, #tpu.memory_space<hbm>>) target(%arg14 : memref<512xf32, #tpu.memory_space<vmem>>) offsets(%arg10 : memref<512xi32, #tpu.memory_space<vmem>>) semaphore(%arg20 : memref<!tpu.dma_semaphore, #tpu.memory_space<semaphore_mem>>)
    %dma_start3A_17 = arith.constant 0 : i32
    %dma_start3A_18 = tpu.memref_slice %arg7[%dma_start3A_17] : memref<100000xf32, #tpu.memory_space<hbm>> -> memref<100000xf32, #tpu.memory_space<hbm>>
    tpu.enqueue_indirect_dma source(%dma_start3A_18 : memref<100000xf32, #tpu.memory_space<hbm>>) target(%arg15 : memref<512xf32, #tpu.memory_space<vmem>>) offsets(%arg11 : memref<512xi32, #tpu.memory_space<vmem>>) semaphore(%arg21 : memref<!tpu.dma_semaphore, #tpu.memory_space<semaphore_mem>>)
    %dma_wait3A = arith.constant 0 : i32
    %dma_wait3A_19 = arith.constant 0 : i32
    %dma_wait3A_20 = tpu.memref_slice %arg4[%dma_wait3A, %dma_wait3A_19] : memref<1000000x32xf32, #tpu.memory_space<hbm>> -> memref<1000000x32xf32, #tpu.memory_space<hbm>>
    tpu.wait_indirect_dma semaphore(%arg18 : memref<!tpu.dma_semaphore, #tpu.memory_space<semaphore_mem>>) src(%dma_wait3A_20 : memref<1000000x32xf32, #tpu.memory_space<hbm>>) dst(%arg12 : memref<512x32xf32, #tpu.memory_space<vmem>>)
    %dma_wait3A_21 = arith.constant 0 : i32
    %dma_wait3A_22 = arith.constant 0 : i32
    %dma_wait3A_23 = tpu.memref_slice %arg5[%dma_wait3A_21, %dma_wait3A_22] : memref<100000x32xf32, #tpu.memory_space<hbm>> -> memref<100000x32xf32, #tpu.memory_space<hbm>>
    tpu.wait_indirect_dma semaphore(%arg19 : memref<!tpu.dma_semaphore, #tpu.memory_space<semaphore_mem>>) src(%dma_wait3A_23 : memref<100000x32xf32, #tpu.memory_space<hbm>>) dst(%arg13 : memref<512x32xf32, #tpu.memory_space<vmem>>)
    %dma_wait3A_24 = arith.constant 0 : i32
    %dma_wait3A_25 = tpu.memref_slice %arg6[%dma_wait3A_24] : memref<1000000xf32, #tpu.memory_space<hbm>> -> memref<1000000xf32, #tpu.memory_space<hbm>>
    tpu.wait_indirect_dma semaphore(%arg20 : memref<!tpu.dma_semaphore, #tpu.memory_space<semaphore_mem>>) src(%dma_wait3A_25 : memref<1000000xf32, #tpu.memory_space<hbm>>) dst(%arg14 : memref<512xf32, #tpu.memory_space<vmem>>)
    %dma_wait3A_26 = arith.constant 0 : i32
    %dma_wait3A_27 = tpu.memref_slice %arg7[%dma_wait3A_26] : memref<100000xf32, #tpu.memory_space<hbm>> -> memref<100000xf32, #tpu.memory_space<hbm>>
    tpu.wait_indirect_dma semaphore(%arg21 : memref<!tpu.dma_semaphore, #tpu.memory_space<semaphore_mem>>) src(%dma_wait3A_27 : memref<100000xf32, #tpu.memory_space<hbm>>) dst(%arg15 : memref<512xf32, #tpu.memory_space<vmem>>)
    %iota3A = tpu.iota {dimensions = array<i32: 0>} : vector<16xi32>
    %scan3A = arith.constant 0 : i32
    %scan3A_28 = arith.constant 0 : i32
    %scan3A_29 = arith.constant 32 : i32
    %scan3A_30 = arith.addi %scan3A_28, %scan3A_29 : i32
    %scan3A_31 = arith.constant 1 : i32
    scf.for %scan3A_33 = %scan3A_28 to %scan3A_30 step %scan3A_31  : i32 {
      %mul3A_34 = arith.constant 16 : i32
      %mul3A_35 = arith.muli %scan3A_33, %mul3A_34 : i32
      %add3A_36 = vector.broadcast %mul3A_35 : i32 to vector<16xi32>
      %add3A_37 = arith.addi %add3A_36, %iota3A : vector<16xi32>
      %get3A_38 = arith.index_cast %mul3A_35 : i32 to index
      %get3A_39 = tpu.vector_load %arg14[%get3A_38] {strides = array<i32>} : memref<512xf32, #tpu.memory_space<vmem>>, vector<16xf32>,
      %get3A_40 = arith.index_cast %mul3A_35 : i32 to index
      %get3A_41 = tpu.vector_load %arg15[%get3A_40] {strides = array<i32>} : memref<512xf32, #tpu.memory_space<vmem>>, vector<16xf32>,
      %add3A_42 = arith.addf %get3A_39, %get3A_41 : vector<16xf32>
      %add3A_43 = arith.addf %add3A_42, %get3A_9 : vector<16xf32>
      %broadcast_in_dim3A_44 = arith.constant 0 : i32
      %broadcast_in_dim3A_45 = vector.broadcast %broadcast_in_dim3A_44 : i32 to vector<16xi32>
      %gather3A = tpu.vector_load_idx %arg12[%add3A_37, %broadcast_in_dim3A_45] : memref<512x32xf32, #tpu.memory_space<vmem>>[vector<16xi32>, vector<16xi32>], vector<16xf32>,
      %gather3A_46 = tpu.vector_load_idx %arg13[%add3A_37, %broadcast_in_dim3A_45] : memref<512x32xf32, #tpu.memory_space<vmem>>[vector<16xi32>, vector<16xi32>], vector<16xf32>,
      %mul3A_47 = arith.mulf %gather3A, %gather3A_46 : vector<16xf32>
      %add3A_48 = arith.addf %add3A_43, %mul3A_47 : vector<16xf32>
      %broadcast_in_dim3A_49 = arith.constant 1 : i32
      %broadcast_in_dim3A_50 = vector.broadcast %broadcast_in_dim3A_49 : i32 to vector<16xi32>
      %gather3A_51 = tpu.vector_load_idx %arg12[%add3A_37, %broadcast_in_dim3A_50] : memref<512x32xf32, #tpu.memory_space<vmem>>[vector<16xi32>, vector<16xi32>], vector<16xf32>,
      %gather3A_52 = tpu.vector_load_idx %arg13[%add3A_37, %broadcast_in_dim3A_50] : memref<512x32xf32, #tpu.memory_space<vmem>>[vector<16xi32>, vector<16xi32>], vector<16xf32>,
      %mul3A_53 = arith.mulf %gather3A_51, %gather3A_52 : vector<16xf32>
      %add3A_54 = arith.addf %add3A_48, %mul3A_53 : vector<16xf32>
      %broadcast_in_dim3A_55 = arith.constant 2 : i32
      %broadcast_in_dim3A_56 = vector.broadcast %broadcast_in_dim3A_55 : i32 to vector<16xi32>
      %gather3A_57 = tpu.vector_load_idx %arg12[%add3A_37, %broadcast_in_dim3A_56] : memref<512x32xf32, #tpu.memory_space<vmem>>[vector<16xi32>, vector<16xi32>], vector<16xf32>,
      %gather3A_58 = tpu.vector_load_idx %arg13[%add3A_37, %broadcast_in_dim3A_56] : memref<512x32xf32, #tpu.memory_space<vmem>>[vector<16xi32>, vector<16xi32>], vector<16xf32>,
      %mul3A_59 = arith.mulf %gather3A_57, %gather3A_58 : vector<16xf32>
      %add3A_60 = arith.addf %add3A_54, %mul3A_59 : vector<16xf32>
      %broadcast_in_dim3A_61 = arith.constant 3 : i32
      %broadcast_in_dim3A_62 = vector.broadcast %broadcast_in_dim3A_61 : i32 to vector<16xi32>
      %gather3A_63 = tpu.vector_load_idx %arg12[%add3A_37, %broadcast_in_dim3A_62] : memref<512x32xf32, #tpu.memory_space<vmem>>[vector<16xi32>, vector<16xi32>], vector<16xf32>,
      %gather3A_64 = tpu.vector_load_idx %arg13[%add3A_37, %broadcast_in_dim3A_62] : memref<512x32xf32, #tpu.memory_space<vmem>>[vector<16xi32>, vector<16xi32>], vector<16xf32>,
      %mul3A_65 = arith.mulf %gather3A_63, %gather3A_64 : vector<16xf32>
      %add3A_66 = arith.addf %add3A_60, %mul3A_65 : vector<16xf32>
      %broadcast_in_dim3A_67 = arith.constant 4 : i32
      %broadcast_in_dim3A_68 = vector.broadcast %broadcast_in_dim3A_67 : i32 to vector<16xi32>
      %gather3A_69 = tpu.vector_load_idx %arg12[%add3A_37, %broadcast_in_dim3A_68] : memref<512x32xf32, #tpu.memory_space<vmem>>[vector<16xi32>, vector<16xi32>], vector<16xf32>,
      %gather3A_70 = tpu.vector_load_idx %arg13[%add3A_37, %broadcast_in_dim3A_68] : memref<512x32xf32, #tpu.memory_space<vmem>>[vector<16xi32>, vector<16xi32>], vector<16xf32>,
      %mul3A_71 = arith.mulf %gather3A_69, %gather3A_70 : vector<16xf32>
      %add3A_72 = arith.addf %add3A_66, %mul3A_71 : vector<16xf32>
      %broadcast_in_dim3A_73 = arith.constant 5 : i32
      %broadcast_in_dim3A_74 = vector.broadcast %broadcast_in_dim3A_73 : i32 to vector<16xi32>
      %gather3A_75 = tpu.vector_load_idx %arg12[%add3A_37, %broadcast_in_dim3A_74] : memref<512x32xf32, #tpu.memory_space<vmem>>[vector<16xi32>, vector<16xi32>], vector<16xf32>,
      %gather3A_76 = tpu.vector_load_idx %arg13[%add3A_37, %broadcast_in_dim3A_74] : memref<512x32xf32, #tpu.memory_space<vmem>>[vector<16xi32>, vector<16xi32>], vector<16xf32>,
      %mul3A_77 = arith.mulf %gather3A_75, %gather3A_76 : vector<16xf32>
      %add3A_78 = arith.addf %add3A_72, %mul3A_77 : vector<16xf32>
      %broadcast_in_dim3A_79 = arith.constant 6 : i32
      %broadcast_in_dim3A_80 = vector.broadcast %broadcast_in_dim3A_79 : i32 to vector<16xi32>
      %gather3A_81 = tpu.vector_load_idx %arg12[%add3A_37, %broadcast_in_dim3A_80] : memref<512x32xf32, #tpu.memory_space<vmem>>[vector<16xi32>, vector<16xi32>], vector<16xf32>,
      %gather3A_82 = tpu.vector_load_idx %arg13[%add3A_37, %broadcast_in_dim3A_80] : memref<512x32xf32, #tpu.memory_space<vmem>>[vector<16xi32>, vector<16xi32>], vector<16xf32>,
      %mul3A_83 = arith.mulf %gather3A_81, %gather3A_82 : vector<16xf32>
      %add3A_84 = arith.addf %add3A_78, %mul3A_83 : vector<16xf32>
      %broadcast_in_dim3A_85 = arith.constant 7 : i32
      %broadcast_in_dim3A_86 = vector.broadcast %broadcast_in_dim3A_85 : i32 to vector<16xi32>
      %gather3A_87 = tpu.vector_load_idx %arg12[%add3A_37, %broadcast_in_dim3A_86] : memref<512x32xf32, #tpu.memory_space<vmem>>[vector<16xi32>, vector<16xi32>], vector<16xf32>,
      %gather3A_88 = tpu.vector_load_idx %arg13[%add3A_37, %broadcast_in_dim3A_86] : memref<512x32xf32, #tpu.memory_space<vmem>>[vector<16xi32>, vector<16xi32>], vector<16xf32>,
      %mul3A_89 = arith.mulf %gather3A_87, %gather3A_88 : vector<16xf32>
      %add3A_90 = arith.addf %add3A_84, %mul3A_89 : vector<16xf32>
      %broadcast_in_dim3A_91 = arith.constant 8 : i32
      %broadcast_in_dim3A_92 = vector.broadcast %broadcast_in_dim3A_91 : i32 to vector<16xi32>
      %gather3A_93 = tpu.vector_load_idx %arg12[%add3A_37, %broadcast_in_dim3A_92] : memref<512x32xf32, #tpu.memory_space<vmem>>[vector<16xi32>, vector<16xi32>], vector<16xf32>,
      %gather3A_94 = tpu.vector_load_idx %arg13[%add3A_37, %broadcast_in_dim3A_92] : memref<512x32xf32, #tpu.memory_space<vmem>>[vector<16xi32>, vector<16xi32>], vector<16xf32>,
      %mul3A_95 = arith.mulf %gather3A_93, %gather3A_94 : vector<16xf32>
      %add3A_96 = arith.addf %add3A_90, %mul3A_95 : vector<16xf32>
      %broadcast_in_dim3A_97 = arith.constant 9 : i32
      %broadcast_in_dim3A_98 = vector.broadcast %broadcast_in_dim3A_97 : i32 to vector<16xi32>
      %gather3A_99 = tpu.vector_load_idx %arg12[%add3A_37, %broadcast_in_dim3A_98] : memref<512x32xf32, #tpu.memory_space<vmem>>[vector<16xi32>, vector<16xi32>], vector<16xf32>,
      %gather3A_100 = tpu.vector_load_idx %arg13[%add3A_37, %broadcast_in_dim3A_98] : memref<512x32xf32, #tpu.memory_space<vmem>>[vector<16xi32>, vector<16xi32>], vector<16xf32>,
      %mul3A_101 = arith.mulf %gather3A_99, %gather3A_100 : vector<16xf32>
      %add3A_102 = arith.addf %add3A_96, %mul3A_101 : vector<16xf32>
      %broadcast_in_dim3A_103 = arith.constant 10 : i32
      %broadcast_in_dim3A_104 = vector.broadcast %broadcast_in_dim3A_103 : i32 to vector<16xi32>
      %gather3A_105 = tpu.vector_load_idx %arg12[%add3A_37, %broadcast_in_dim3A_104] : memref<512x32xf32, #tpu.memory_space<vmem>>[vector<16xi32>, vector<16xi32>], vector<16xf32>,
      %gather3A_106 = tpu.vector_load_idx %arg13[%add3A_37, %broadcast_in_dim3A_104] : memref<512x32xf32, #tpu.memory_space<vmem>>[vector<16xi32>, vector<16xi32>], vector<16xf32>,
      %mul3A_107 = arith.mulf %gather3A_105, %gather3A_106 : vector<16xf32>
      %add3A_108 = arith.addf %add3A_102, %mul3A_107 : vector<16xf32>
      %broadcast_in_dim3A_109 = arith.constant 11 : i32
      %broadcast_in_dim3A_110 = vector.broadcast %broadcast_in_dim3A_109 : i32 to vector<16xi32>
      %gather3A_111 = tpu.vector_load_idx %arg12[%add3A_37, %broadcast_in_dim3A_110] : memref<512x32xf32, #tpu.memory_space<vmem>>[vector<16xi32>, vector<16xi32>], vector<16xf32>,
      %gather3A_112 = tpu.vector_load_idx %arg13[%add3A_37, %broadcast_in_dim3A_110] : memref<512x32xf32, #tpu.memory_space<vmem>>[vector<16xi32>, vector<16xi32>], vector<16xf32>,
      %mul3A_113 = arith.mulf %gather3A_111, %gather3A_112 : vector<16xf32>
      %add3A_114 = arith.addf %add3A_108, %mul3A_113 : vector<16xf32>
      %broadcast_in_dim3A_115 = arith.constant 12 : i32
      %broadcast_in_dim3A_116 = vector.broadcast %broadcast_in_dim3A_115 : i32 to vector<16xi32>
      %gather3A_117 = tpu.vector_load_idx %arg12[%add3A_37, %broadcast_in_dim3A_116] : memref<512x32xf32, #tpu.memory_space<vmem>>[vector<16xi32>, vector<16xi32>], vector<16xf32>,
      %gather3A_118 = tpu.vector_load_idx %arg13[%add3A_37, %broadcast_in_dim3A_116] : memref<512x32xf32, #tpu.memory_space<vmem>>[vector<16xi32>, vector<16xi32>], vector<16xf32>,
      %mul3A_119 = arith.mulf %gather3A_117, %gather3A_118 : vector<16xf32>
      %add3A_120 = arith.addf %add3A_114, %mul3A_119 : vector<16xf32>
      %broadcast_in_dim3A_121 = arith.constant 13 : i32
      %broadcast_in_dim3A_122 = vector.broadcast %broadcast_in_dim3A_121 : i32 to vector<16xi32>
      %gather3A_123 = tpu.vector_load_idx %arg12[%add3A_37, %broadcast_in_dim3A_122] : memref<512x32xf32, #tpu.memory_space<vmem>>[vector<16xi32>, vector<16xi32>], vector<16xf32>,
      %gather3A_124 = tpu.vector_load_idx %arg13[%add3A_37, %broadcast_in_dim3A_122] : memref<512x32xf32, #tpu.memory_space<vmem>>[vector<16xi32>, vector<16xi32>], vector<16xf32>,
      %mul3A_125 = arith.mulf %gather3A_123, %gather3A_124 : vector<16xf32>
      %add3A_126 = arith.addf %add3A_120, %mul3A_125 : vector<16xf32>
      %broadcast_in_dim3A_127 = arith.constant 14 : i32
      %broadcast_in_dim3A_128 = vector.broadcast %broadcast_in_dim3A_127 : i32 to vector<16xi32>
      %gather3A_129 = tpu.vector_load_idx %arg12[%add3A_37, %broadcast_in_dim3A_128] : memref<512x32xf32, #tpu.memory_space<vmem>>[vector<16xi32>, vector<16xi32>], vector<16xf32>,
      %gather3A_130 = tpu.vector_load_idx %arg13[%add3A_37, %broadcast_in_dim3A_128] : memref<512x32xf32, #tpu.memory_space<vmem>>[vector<16xi32>, vector<16xi32>], vector<16xf32>,
      %mul3A_131 = arith.mulf %gather3A_129, %gather3A_130 : vector<16xf32>
      %add3A_132 = arith.addf %add3A_126, %mul3A_131 : vector<16xf32>
      %broadcast_in_dim3A_133 = arith.constant 15 : i32
      %broadcast_in_dim3A_134 = vector.broadcast %broadcast_in_dim3A_133 : i32 to vector<16xi32>
      %gather3A_135 = tpu.vector_load_idx %arg12[%add3A_37, %broadcast_in_dim3A_134] : memref<512x32xf32, #tpu.memory_space<vmem>>[vector<16xi32>, vector<16xi32>], vector<16xf32>,
      %gather3A_136 = tpu.vector_load_idx %arg13[%add3A_37, %broadcast_in_dim3A_134] : memref<512x32xf32, #tpu.memory_space<vmem>>[vector<16xi32>, vector<16xi32>], vector<16xf32>,
      %mul3A_137 = arith.mulf %gather3A_135, %gather3A_136 : vector<16xf32>
      %add3A_138 = arith.addf %add3A_132, %mul3A_137 : vector<16xf32>
      %broadcast_in_dim3A_139 = arith.constant 16 : i32
      %broadcast_in_dim3A_140 = vector.broadcast %broadcast_in_dim3A_139 : i32 to vector<16xi32>
      %gather3A_141 = tpu.vector_load_idx %arg12[%add3A_37, %broadcast_in_dim3A_140] : memref<512x32xf32, #tpu.memory_space<vmem>>[vector<16xi32>, vector<16xi32>], vector<16xf32>,
      %gather3A_142 = tpu.vector_load_idx %arg13[%add3A_37, %broadcast_in_dim3A_140] : memref<512x32xf32, #tpu.memory_space<vmem>>[vector<16xi32>, vector<16xi32>], vector<16xf32>,
      %mul3A_143 = arith.mulf %gather3A_141, %gather3A_142 : vector<16xf32>
      %add3A_144 = arith.addf %add3A_138, %mul3A_143 : vector<16xf32>
      %broadcast_in_dim3A_145 = arith.constant 17 : i32
      %broadcast_in_dim3A_146 = vector.broadcast %broadcast_in_dim3A_145 : i32 to vector<16xi32>
      %gather3A_147 = tpu.vector_load_idx %arg12[%add3A_37, %broadcast_in_dim3A_146] : memref<512x32xf32, #tpu.memory_space<vmem>>[vector<16xi32>, vector<16xi32>], vector<16xf32>,
      %gather3A_148 = tpu.vector_load_idx %arg13[%add3A_37, %broadcast_in_dim3A_146] : memref<512x32xf32, #tpu.memory_space<vmem>>[vector<16xi32>, vector<16xi32>], vector<16xf32>,
      %mul3A_149 = arith.mulf %gather3A_147, %gather3A_148 : vector<16xf32>
      %add3A_150 = arith.addf %add3A_144, %mul3A_149 : vector<16xf32>
      %broadcast_in_dim3A_151 = arith.constant 18 : i32
      %broadcast_in_dim3A_152 = vector.broadcast %broadcast_in_dim3A_151 : i32 to vector<16xi32>
      %gather3A_153 = tpu.vector_load_idx %arg12[%add3A_37, %broadcast_in_dim3A_152] : memref<512x32xf32, #tpu.memory_space<vmem>>[vector<16xi32>, vector<16xi32>], vector<16xf32>,
      %gather3A_154 = tpu.vector_load_idx %arg13[%add3A_37, %broadcast_in_dim3A_152] : memref<512x32xf32, #tpu.memory_space<vmem>>[vector<16xi32>, vector<16xi32>], vector<16xf32>,
      %mul3A_155 = arith.mulf %gather3A_153, %gather3A_154 : vector<16xf32>
      %add3A_156 = arith.addf %add3A_150, %mul3A_155 : vector<16xf32>
      %broadcast_in_dim3A_157 = arith.constant 19 : i32
      %broadcast_in_dim3A_158 = vector.broadcast %broadcast_in_dim3A_157 : i32 to vector<16xi32>
      %gather3A_159 = tpu.vector_load_idx %arg12[%add3A_37, %broadcast_in_dim3A_158] : memref<512x32xf32, #tpu.memory_space<vmem>>[vector<16xi32>, vector<16xi32>], vector<16xf32>,
      %gather3A_160 = tpu.vector_load_idx %arg13[%add3A_37, %broadcast_in_dim3A_158] : memref<512x32xf32, #tpu.memory_space<vmem>>[vector<16xi32>, vector<16xi32>], vector<16xf32>,
      %mul3A_161 = arith.mulf %gather3A_159, %gather3A_160 : vector<16xf32>
      %add3A_162 = arith.addf %add3A_156, %mul3A_161 : vector<16xf32>
      %broadcast_in_dim3A_163 = arith.constant 20 : i32
      %broadcast_in_dim3A_164 = vector.broadcast %broadcast_in_dim3A_163 : i32 to vector<16xi32>
      %gather3A_165 = tpu.vector_load_idx %arg12[%add3A_37, %broadcast_in_dim3A_164] : memref<512x32xf32, #tpu.memory_space<vmem>>[vector<16xi32>, vector<16xi32>], vector<16xf32>,
      %gather3A_166 = tpu.vector_load_idx %arg13[%add3A_37, %broadcast_in_dim3A_164] : memref<512x32xf32, #tpu.memory_space<vmem>>[vector<16xi32>, vector<16xi32>], vector<16xf32>,
      %mul3A_167 = arith.mulf %gather3A_165, %gather3A_166 : vector<16xf32>
      %add3A_168 = arith.addf %add3A_162, %mul3A_167 : vector<16xf32>
      %broadcast_in_dim3A_169 = arith.constant 21 : i32
      %broadcast_in_dim3A_170 = vector.broadcast %broadcast_in_dim3A_169 : i32 to vector<16xi32>
      %gather3A_171 = tpu.vector_load_idx %arg12[%add3A_37, %broadcast_in_dim3A_170] : memref<512x32xf32, #tpu.memory_space<vmem>>[vector<16xi32>, vector<16xi32>], vector<16xf32>,
      %gather3A_172 = tpu.vector_load_idx %arg13[%add3A_37, %broadcast_in_dim3A_170] : memref<512x32xf32, #tpu.memory_space<vmem>>[vector<16xi32>, vector<16xi32>], vector<16xf32>,
      %mul3A_173 = arith.mulf %gather3A_171, %gather3A_172 : vector<16xf32>
      %add3A_174 = arith.addf %add3A_168, %mul3A_173 : vector<16xf32>
      %broadcast_in_dim3A_175 = arith.constant 22 : i32
      %broadcast_in_dim3A_176 = vector.broadcast %broadcast_in_dim3A_175 : i32 to vector<16xi32>
      %gather3A_177 = tpu.vector_load_idx %arg12[%add3A_37, %broadcast_in_dim3A_176] : memref<512x32xf32, #tpu.memory_space<vmem>>[vector<16xi32>, vector<16xi32>], vector<16xf32>,
      %gather3A_178 = tpu.vector_load_idx %arg13[%add3A_37, %broadcast_in_dim3A_176] : memref<512x32xf32, #tpu.memory_space<vmem>>[vector<16xi32>, vector<16xi32>], vector<16xf32>,
      %mul3A_179 = arith.mulf %gather3A_177, %gather3A_178 : vector<16xf32>
      %add3A_180 = arith.addf %add3A_174, %mul3A_179 : vector<16xf32>
      %broadcast_in_dim3A_181 = arith.constant 23 : i32
      %broadcast_in_dim3A_182 = vector.broadcast %broadcast_in_dim3A_181 : i32 to vector<16xi32>
      %gather3A_183 = tpu.vector_load_idx %arg12[%add3A_37, %broadcast_in_dim3A_182] : memref<512x32xf32, #tpu.memory_space<vmem>>[vector<16xi32>, vector<16xi32>], vector<16xf32>,
      %gather3A_184 = tpu.vector_load_idx %arg13[%add3A_37, %broadcast_in_dim3A_182] : memref<512x32xf32, #tpu.memory_space<vmem>>[vector<16xi32>, vector<16xi32>], vector<16xf32>,
      %mul3A_185 = arith.mulf %gather3A_183, %gather3A_184 : vector<16xf32>
      %add3A_186 = arith.addf %add3A_180, %mul3A_185 : vector<16xf32>
      %broadcast_in_dim3A_187 = arith.constant 24 : i32
      %broadcast_in_dim3A_188 = vector.broadcast %broadcast_in_dim3A_187 : i32 to vector<16xi32>
      %gather3A_189 = tpu.vector_load_idx %arg12[%add3A_37, %broadcast_in_dim3A_188] : memref<512x32xf32, #tpu.memory_space<vmem>>[vector<16xi32>, vector<16xi32>], vector<16xf32>,
      %gather3A_190 = tpu.vector_load_idx %arg13[%add3A_37, %broadcast_in_dim3A_188] : memref<512x32xf32, #tpu.memory_space<vmem>>[vector<16xi32>, vector<16xi32>], vector<16xf32>,
      %mul3A_191 = arith.mulf %gather3A_189, %gather3A_190 : vector<16xf32>
      %add3A_192 = arith.addf %add3A_186, %mul3A_191 : vector<16xf32>
      %broadcast_in_dim3A_193 = arith.constant 25 : i32
      %broadcast_in_dim3A_194 = vector.broadcast %broadcast_in_dim3A_193 : i32 to vector<16xi32>
      %gather3A_195 = tpu.vector_load_idx %arg12[%add3A_37, %broadcast_in_dim3A_194] : memref<512x32xf32, #tpu.memory_space<vmem>>[vector<16xi32>, vector<16xi32>], vector<16xf32>,
      %gather3A_196 = tpu.vector_load_idx %arg13[%add3A_37, %broadcast_in_dim3A_194] : memref<512x32xf32, #tpu.memory_space<vmem>>[vector<16xi32>, vector<16xi32>], vector<16xf32>,
      %mul3A_197 = arith.mulf %gather3A_195, %gather3A_196 : vector<16xf32>
      %add3A_198 = arith.addf %add3A_192, %mul3A_197 : vector<16xf32>
      %broadcast_in_dim3A_199 = arith.constant 26 : i32
      %broadcast_in_dim3A_200 = vector.broadcast %broadcast_in_dim3A_199 : i32 to vector<16xi32>
      %gather3A_201 = tpu.vector_load_idx %arg12[%add3A_37, %broadcast_in_dim3A_200] : memref<512x32xf32, #tpu.memory_space<vmem>>[vector<16xi32>, vector<16xi32>], vector<16xf32>,
      %gather3A_202 = tpu.vector_load_idx %arg13[%add3A_37, %broadcast_in_dim3A_200] : memref<512x32xf32, #tpu.memory_space<vmem>>[vector<16xi32>, vector<16xi32>], vector<16xf32>,
      %mul3A_203 = arith.mulf %gather3A_201, %gather3A_202 : vector<16xf32>
      %add3A_204 = arith.addf %add3A_198, %mul3A_203 : vector<16xf32>
      %broadcast_in_dim3A_205 = arith.constant 27 : i32
      %broadcast_in_dim3A_206 = vector.broadcast %broadcast_in_dim3A_205 : i32 to vector<16xi32>
      %gather3A_207 = tpu.vector_load_idx %arg12[%add3A_37, %broadcast_in_dim3A_206] : memref<512x32xf32, #tpu.memory_space<vmem>>[vector<16xi32>, vector<16xi32>], vector<16xf32>,
      %gather3A_208 = tpu.vector_load_idx %arg13[%add3A_37, %broadcast_in_dim3A_206] : memref<512x32xf32, #tpu.memory_space<vmem>>[vector<16xi32>, vector<16xi32>], vector<16xf32>,
      %mul3A_209 = arith.mulf %gather3A_207, %gather3A_208 : vector<16xf32>
      %add3A_210 = arith.addf %add3A_204, %mul3A_209 : vector<16xf32>
      %broadcast_in_dim3A_211 = arith.constant 28 : i32
      %broadcast_in_dim3A_212 = vector.broadcast %broadcast_in_dim3A_211 : i32 to vector<16xi32>
      %gather3A_213 = tpu.vector_load_idx %arg12[%add3A_37, %broadcast_in_dim3A_212] : memref<512x32xf32, #tpu.memory_space<vmem>>[vector<16xi32>, vector<16xi32>], vector<16xf32>,
      %gather3A_214 = tpu.vector_load_idx %arg13[%add3A_37, %broadcast_in_dim3A_212] : memref<512x32xf32, #tpu.memory_space<vmem>>[vector<16xi32>, vector<16xi32>], vector<16xf32>,
      %mul3A_215 = arith.mulf %gather3A_213, %gather3A_214 : vector<16xf32>
      %add3A_216 = arith.addf %add3A_210, %mul3A_215 : vector<16xf32>
      %broadcast_in_dim3A_217 = arith.constant 29 : i32
      %broadcast_in_dim3A_218 = vector.broadcast %broadcast_in_dim3A_217 : i32 to vector<16xi32>
      %gather3A_219 = tpu.vector_load_idx %arg12[%add3A_37, %broadcast_in_dim3A_218] : memref<512x32xf32, #tpu.memory_space<vmem>>[vector<16xi32>, vector<16xi32>], vector<16xf32>,
      %gather3A_220 = tpu.vector_load_idx %arg13[%add3A_37, %broadcast_in_dim3A_218] : memref<512x32xf32, #tpu.memory_space<vmem>>[vector<16xi32>, vector<16xi32>], vector<16xf32>,
      %mul3A_221 = arith.mulf %gather3A_219, %gather3A_220 : vector<16xf32>
      %add3A_222 = arith.addf %add3A_216, %mul3A_221 : vector<16xf32>
      %broadcast_in_dim3A_223 = arith.constant 30 : i32
      %broadcast_in_dim3A_224 = vector.broadcast %broadcast_in_dim3A_223 : i32 to vector<16xi32>
      %gather3A_225 = tpu.vector_load_idx %arg12[%add3A_37, %broadcast_in_dim3A_224] : memref<512x32xf32, #tpu.memory_space<vmem>>[vector<16xi32>, vector<16xi32>], vector<16xf32>,
      %gather3A_226 = tpu.vector_load_idx %arg13[%add3A_37, %broadcast_in_dim3A_224] : memref<512x32xf32, #tpu.memory_space<vmem>>[vector<16xi32>, vector<16xi32>], vector<16xf32>,
      %mul3A_227 = arith.mulf %gather3A_225, %gather3A_226 : vector<16xf32>
      %add3A_228 = arith.addf %add3A_222, %mul3A_227 : vector<16xf32>
      %broadcast_in_dim3A_229 = arith.constant 31 : i32
      %broadcast_in_dim3A_230 = vector.broadcast %broadcast_in_dim3A_229 : i32 to vector<16xi32>
      %gather3A_231 = tpu.vector_load_idx %arg12[%add3A_37, %broadcast_in_dim3A_230] : memref<512x32xf32, #tpu.memory_space<vmem>>[vector<16xi32>, vector<16xi32>], vector<16xf32>,
      %gather3A_232 = tpu.vector_load_idx %arg13[%add3A_37, %broadcast_in_dim3A_230] : memref<512x32xf32, #tpu.memory_space<vmem>>[vector<16xi32>, vector<16xi32>], vector<16xf32>,
      %mul3A_233 = arith.mulf %gather3A_231, %gather3A_232 : vector<16xf32>
      %add3A_234 = arith.addf %add3A_228, %mul3A_233 : vector<16xf32>
      %swap3A_235 = arith.index_cast %mul3A_35 : i32 to index
      %swap3A_236 = tpu.vector_load %arg17[%swap3A_235] {strides = array<i32>} : memref<512xf32, #tpu.memory_space<vmem>>, vector<16xf32>,
      tpu.vector_store %arg17[%swap3A_235], %add3A_234 {strides = array<i32>} : memref<512xf32, #tpu.memory_space<vmem>>, vector<16xf32>,
    }
    %scan3A_32 = arith.constant 32 : i32
    "tpu.region"() ({
      %run_scoped3A = tpu.sem_alloc : memref<!tpu.dma_semaphore, #tpu.memory_space<semaphore_mem>>
      %dma_start3A_33 = tpu.memref_slice %arg9[%mul3A_2] : memref<16384xf32, #tpu.memory_space<hbm>> -> memref<512xf32, #tpu.memory_space<hbm>>
      %dma_start3A_34 = tpu.memref_slice %arg9[%mul3A_2] : memref<16384xf32, #tpu.memory_space<hbm>> -> memref<512xf32, #tpu.memory_space<hbm>>
      tpu.enqueue_dma source(%arg17 : memref<512xf32, #tpu.memory_space<vmem>>) target(%dma_start3A_34 : memref<512xf32, #tpu.memory_space<hbm>>) target_semaphore(%run_scoped3A : memref<!tpu.dma_semaphore, #tpu.memory_space<semaphore_mem>>)
      %dma_wait3A_35 = tpu.memref_slice %arg9[%mul3A_2] : memref<16384xf32, #tpu.memory_space<hbm>> -> memref<512xf32, #tpu.memory_space<hbm>>
      %dma_wait3A_36 = tpu.memref_slice %arg9[%mul3A_2] : memref<16384xf32, #tpu.memory_space<hbm>> -> memref<512xf32, #tpu.memory_space<hbm>>
      tpu.wait_dma2 semaphore(%run_scoped3A : memref<!tpu.dma_semaphore, #tpu.memory_space<semaphore_mem>>) src(%arg17 : memref<512xf32, #tpu.memory_space<vmem>>) dst(%dma_wait3A_36 : memref<512xf32, #tpu.memory_space<hbm>>)
      tpu.yield
    }) : () -> ()
    return
  }
}

</mosaic_0001>

<sc_bundles>
// kernel: _run.3.cloned.1.call-start
scs
__scs_entry_jumppad:
0x0: {  	(pc) =	sbr.rel $0x88, $3  }
0x1: {  	(tag) =	ssettag $0x0;
	lr =	simm.s32 $0x1  }
0x2: {  	[smem:$0x3F9A] =	sst lr;
	_ =	strace $0xD0000000  }
0x3: {  	_ = 	snop  }
0x4: {  	_ = 	snop  }
0x5: {  	_ = 	snop  }
0x6: {  	_ = 	snop  }
0x7: {  	_ = 	snop  }
__scs_overlays_trampoline_lowered:
0x8: {  	[smem:$0x3FA9] =	sst s0  }
0x9: {  	[smem:$0x3FAA] =	sst s1  }
0xa: {  	[smem:$0x3FAB] =	sst s2  }
0xb: {  	[smem:$0x3FAC] =	sst s3  }
0xc: {  	[smem:$0x3FAD] =	sst s4  }
0xd: {  	[smem:$0x3FAE] =	sst s5  }
0xe: {  	[smem:$0x3FAF] =	sst s6  }
0xf: {  	[smem:$0x3FB0] =	sst s7  }
0x10: {  	[smem:$0x3FB1] =	sst s8  }
0x11: {  	[smem:$0x3FB2] =	sst s9;
	s0 =	simm.s32 @!p0 $0x0  }
0x12: {  	s1 =	sld [smem:$0x3F98];
	s0 =	simm.s32 @p0 $0x1  }
0x13: {  	[smem:$0x3FB3] =	sst s0;
	s0 =	simm.s32 @!p1 $0x0  }
0x14: {  	s2 =	sld [smem:$0x3F97];
	s0 =	simm.s32 @p1 $0x1  }
0x15: {  	[smem:$0x3FB4] =	sst s0;
	s0 =	simm.s32 @!p2 $0x0  }
0x16: {  	s3 =	sld [smem:$0x3FDB];
	s0 =	simm.s32 @p2 $0x1  }
0x17: {  	s4 =	simm.s32 $0x1BF5;
	[smem:$0x3FB6] =	sst s0  }
0x18: {  	s0 =	sld [smem:$0x3F99];
	_ =	swait.ge [sflag:s4], $0x0  }
0x19: {  	s7 =	sld [smem:$0x3F9A]  }
0x1a: {  	s8 =	sadd.s32 $0xFFFFE003, lr  }
0x1b: {  	s9 =	sadd.s32 $0xFFFFFEF7, lr;
	s5 =	simm.s32 $0xFFFFFFFF;
	p2 =	slt.u32 s8, $0xFFFFF086  }
0x1c: {  	p1 =	slt.u32 s9, $0xF7A;
	s5 =	simm.s32 @!p2 $0x0  }
0x1d: {  	s5 =	simm.s32 @p1 $0x1;
	p0 =	seq.s32 s7, s2  }
0x1e: {  	s7 =	smul.u32 @!p0 $0xF7A, s2;
	p2 =	seq.s32 @!p0 s5, $0x0  }
0x1f: {  	s9 =	smul.u32 $0xF7A, s1;
	s8 =	simm.s32 @!p0 $0x1BF5;
	p2 =	por !p2, p0  }
0x20: {  	[sflag:s8] =	ssyncset.s32 @!p0 $0xFFFFF086;
	s6 =	sadd.s32 @!p0 s3, s7;
	s7 =	simm.s32 @!p0 $0x108  }
0x21: {  	s3 =	sadd.s32 s3, s9;
	s6 =	sadd.s32 @!p0 $0x88, s6;
	s7 =	simm.s32 @p2 $0x1082  }
0x22: {  	[simem:s7], [sflag:s8] =	dma.local @!p0 [hbm:s6], $0xF7A  }
0x23: {  	s9 =	sor.u32 $0xD0000000, s2;
	s6 =	simm.s32 $0x108;
	_ =	swait.ge @!p0 [sflag:s8], $0x0  }
0x24: {  	s3 =	sadd.s32 $0x88, s3;
	s6 =	simm.s32 @!p1 $0x1082;
	[sflag:s4] =	ssyncset.s32 $0xFFFFF086  }
0x25: {  	[simem:s6], [sflag:s4] =	dma.local [hbm:s3], $0xF7A  }
0x26: {  	[smem:$0x3F9A] =	sst s1;
	(tag) =	ssettag s2;
	_ =	strace s9  }
0x27: {  	s1 =	sld [smem:$0x3FAA]  }
0x28: {  	s2 =	sld [smem:$0x3FAB]  }
0x29: {  	s4 =	sld [smem:$0x3FAD]  }
0x2a: {  	p0 =	seq.s32 s5, $0x0;
	s5 =	sld [smem:$0x3FAE]  }
0x2b: {  	s6 =	sld [smem:$0x3FAF]  }
0x2c: {  	s7 =	sld [smem:$0x3FB0]  }
0x2d: {  	s3 =	simm.s32 $0x108;
	s8 =	sld [smem:$0x3FB1]  }
0x2e: {  	s3 =	simm.s32 @!p0 $0x1082;
	s9 =	sld [smem:$0x3FB2]  }
0x2f: {  	lr =	sadd.s32 s0, s3;
	s0 =	sld [smem:$0x3FA9]  }
0x30: {  	s3 =	sld [smem:$0x3FAC]  }
0x31: {  	[smem:$0x3FB5] =	sst s10  }
0x32: {  	s10 =	sld [smem:$0x3FB3];
	_ =	sdelay $0x3  }
0x33: {  	p0 =	seq.s32 s10, $0x1;
	s10 =	sld [smem:$0x3FB5];
	_ =	sdelay $0x3  }
0x34: {  	[smem:$0x3FB5] =	sst s10  }
0x35: {  	s10 =	sld [smem:$0x3FB4];
	_ =	sdelay $0x3  }
0x36: {  	p1 =	seq.s32 s10, $0x1;
	s10 =	sld [smem:$0x3FB5];
	_ =	sdelay $0x3  }
0x37: {  	[smem:$0x3FB5] =	sst s10  }
0x38: {  	s10 =	sld [smem:$0x3FB6]  }
0x39: {  	_ = 	snop;
	(pc) =	sbr.ind lr, $3  }
0x3a: {  	_ = 	snop  }
0x3b: {  	_ = 	snop  }
0x3c: {  	p2 =	seq.s32 s10, $0x1;
	s10 =	sld [smem:$0x3FB5]  }
0x3d: {  	_ =	shalt  }
0x3e: {  	_ =	shalt  }
0x3f: {  	_ =	shalt  }
0x40: {  	_ =	shalt  }
0x41: {  	_ =	shalt  }
0x42: {  	_ =	shalt  }
0x43: {  	_ =	shalt  }
0x44: {  	_ =	shalt  }
0x45: {  	_ =	shalt  }
0x46: {  	_ =	shalt  }
0x47: {  	_ =	shalt  }
0x48: {  	_ =	shalt  }
0x49: {  	_ =	shalt  }
0x4a: {  	_ =	shalt  }
0x4b: {  	_ =	shalt  }
0x4c: {  	_ =	shalt  }
0x4d: {  	_ =	shalt  }
0x4e: {  	_ =	shalt  }
0x4f: {  	_ =	shalt  }
0x50: {  	_ =	shalt  }
0x51: {  	_ =	shalt  }
0x52: {  	_ =	shalt  }
0x53: {  	_ =	shalt  }
0x54: {  	_ =	shalt  }
0x55: {  	_ =	shalt  }
0x56: {  	_ =	shalt  }
0x57: {  	_ =	shalt  }
0x58: {  	_ =	shalt  }
0x59: {  	_ =	shalt  }
0x5a: {  	_ =	shalt  }
0x5b: {  	_ =	shalt  }
0x5c: {  	_ =	shalt  }
0x5d: {  	_ =	shalt  }
0x5e: {  	_ =	shalt  }
0x5f: {  	_ =	shalt  }
0x60: {  	_ =	shalt  }
0x61: {  	_ =	shalt  }
0x62: {  	_ =	shalt  }
0x63: {  	_ =	shalt  }
0x64: {  	_ =	shalt  }
0x65: {  	_ =	shalt  }
0x66: {  	_ =	shalt  }
0x67: {  	_ =	shalt  }
0x68: {  	_ =	shalt  }
0x69: {  	_ =	shalt  }
0x6a: {  	_ =	shalt  }
0x6b: {  	_ =	shalt  }
0x6c: {  	_ =	shalt  }
0x6d: {  	_ =	shalt  }
0x6e: {  	_ =	shalt  }
0x6f: {  	_ =	shalt  }
0x70: {  	_ =	shalt  }
0x71: {  	_ =	shalt  }
0x72: {  	_ =	shalt  }
0x73: {  	_ =	shalt  }
0x74: {  	_ =	shalt  }
0x75: {  	_ =	shalt  }
0x76: {  	_ =	shalt  }
0x77: {  	_ =	shalt  }
0x78: {  	_ =	shalt  }
0x79: {  	_ =	shalt  }
0x7a: {  	_ =	shalt  }
0x7b: {  	_ =	shalt  }
0x7c: {  	_ =	shalt  }
0x7d: {  	_ =	shalt  }
0x7e: {  	_ =	shalt  }
0x7f: {  	_ =	shalt  }
0x80: {  	_ =	shalt  }
0x81: {  	_ =	shalt  }
0x82: {  	_ =	shalt  }
0x83: {  	_ =	shalt  }
0x84: {  	_ =	shalt  }
0x85: {  	_ =	shalt  }
0x86: {  	_ =	shalt  }
0x87: {  	_ =	shalt  }
.Lfunc_end0:
.L_simem_size_0:
called_computation_lowered:
.L_overlay_start_0:
0x88: {  	s2 =	sld [smem:$0x3FD9]  }
0x89: {  	s3 =	sld [smem:$0x3FFE];
	_ =	sdelay $0x1  }
0x8a: {  	s1 =	srdreg.scid  }
0x8b: {  	s0 =	sand.u32 $0x1, s1  }
0x8c: {  	s17 =	sshll.u32 s0, $0xA;
	s2 =	sadd.s32 s3, s2  }
0x8d: {  	s2 =	sadd.s32 s2, s17  }
0x8e: {  	[smem:$0x3FC1] =	sst s2  }
0x8f: {  	_ = 	snop  }
0x90: {  	s2 =	sld [smem:$0x3FC9]  }
0x91: {  	s18 =	sld [smem:$0x3FC8]  }
0x92: {  	s4 =	sld [smem:$0x3FC5]  }
0x93: {  	s5 =	sld [smem:$0x3FC4]  }
0x94: {  	s6 =	sld [smem:$0x3FC3]  }
0x95: {  	s7 =	sld [smem:$0x3FD0];
	(tm) =	ssettm $0x1  }
0x96: {  	s8 =	sld [smem:$0x3FFB];
	_ =	sdelay $0x3  }
0x97: {  	_ =	strace s8  }
0x98: {  	s8 =	sld [smem:$0x3FFC];
	_ =	sdelay $0x3  }
0x99: {  	_ =	strace s8  }
0x9a: {  	s8 =	sld [smem:$0x3FFD];
	_ =	sdelay $0x3  }
0x9b: {  	_ =	strace s8  }
0x9c: {  	_ =	strace $0x8FFFFFFF  }
0x9d: {  	s19 =	sld [smem:$0x3FDB];
	_ =	sdelay $0x1  }
0x9e: {  	s9 =	simm.s32 $_scs_section_size  }
0x9f: {  	s10 =	simm.s32 $_size__tile_overlayer_lowered;
	s11 =	simm.s32 $_tile_overlayer_lowered  }
0xa0: {  	s22 =	simm.s32 $0x1BFF;
	s21 =	sshll.u32 s11, $0x1;
	s8 =	sadd.s32 s9, s19  }
0xa1: {  	s12 =	simm.s32 $0x0;
	s20 =	sshll.u32 s10, $0x1;
	s10 =	sadd.s32 s21, s8  }
0xa2: {  	[timem:s12], [sflag:s22] =	dma.local [hbm:s10], s20  }
0xa3: {  	_ =	swait.ge [sflag:s22], s20  }
0xa4: {  	s9 =	ssub.s32 $0x0, s20;
	[sflag:s22] =	ssyncset.done $0x0  }
0xa5: {  	[sflag:s22] =	ssyncadd.s32 s9;
	_ =	sdelay $0x1  }
0xa6: {  	s23 =	simm.s32 $0x1B8B  }
0xa7: {  	_ =	swait.ge [sflag:s23], $0x1  }
0xa8: {  	[sflag:s23] =	ssyncset.done $0x0  }
0xa9: {  	s25 =	simm.s32 $0x1B8E;
	s24 =	sld [smem:$0x3FFE];
	[sflag:s23] =	ssyncadd.s32 $0xFFFFFFFF  }
0xaa: {  	s26 =	simm.s32 $execute0_lowered;
	[smem:$0x3FD2] =	sst s25  }
0xab: {  	s10 =	sshll.u32 s26, $0x1;
	_ =	strace $0x80000046;
	[dreg:$0x1] =	wrdreg $0xFFFFFFFF  }
0xac: {  	s28 =	simm.s32 $_size_execute0_lowered;
	s8 =	sadd.s32 s8, s10;
	[dreg:$0x0] =	wrdreg $0x0  }
0xad: {  	s10 =	sshll.u32 s28, $0x1;
	[dreg:$0x2] =	wrdreg s8  }
0xae: {  	[dreg:$0x3] =	wrdreg s10  }
0xaf: {  	[dreg:$0x4] =	wrdreg $0xC0  }
0xb0: {  	_ =	task [dreg:s12], $0x5FFFF  }
0xb1: {  	[dreg:$0x1] =	wrdreg $0xFFFFFFFF  }
0xb2: {  	[dreg:$0x0] =	wrdreg $0x60  }
0xb3: {  	[dreg:$0x2] =	wrdreg s2  }
0xb4: {  	[dreg:$0x3] =	wrdreg s18  }
0xb5: {  	[dreg:$0x4] =	wrdreg s24  }
0xb6: {  	[dreg:$0x5] =	wrdreg s4  }
0xb7: {  	[dreg:$0x6] =	wrdreg s5  }
0xb8: {  	[dreg:$0x7] =	wrdreg s6  }
0xb9: {  	[dreg:$0x8] =	wrdreg s7  }
0xba: {  	[dreg:$0x9] =	wrdreg $0x9  }
0xbb: {  	_ =	task.clear_ibuf [dreg:s12], $0xAFFFF;
	_ =	strace $0x90000046  }
0xbc: {  	s29 =	simm.s32 $0x9;
	_ =	strace $0x80000048  }
0xbd: {  	_ =	swait.ge [sflag:s29], $0x1  }
0xbe: {  	[sflag:s29] =	ssyncadd.s32 $0xFFFFFFFF  }
0xbf: {  	_ =	strace $0x90000048  }
0xc0: {  	_ =	sfence  }
0xc1: {  	s30 =	sld [smem:$0x0];
	_ =	sdelay $0x2  }
0xc2: {  	s31 =	sshll.u32 s1, $0xD;
	s1 =	sshrl.u32 s1, $0x2  }
0xc3: {  	s3 =	sand.u32 $0x4000, s31;
	s1 =	sadd.s32 s1, s30  }
0xc4: {  	s0 =	sor.u32 s3, s0;
	s1 =	sshll.u32 s1, $0x11  }
0xc5: {  	s0 =	sor.u32 s1, s0  }
0xc6: {  	s0 =	sadd.s32 $0x8F2B, s0  }
0xc7: {  	[sflag:s0] =	ssyncadd.remote.s32 $0x1  }
0xc8: {  	_ =	sfence.sel $0xFFFF  }
0xc9: {  	[dreg:$0x0] =	wrdreg $0xFFFFFFFF;
	(pc) =	sbr.abs _section_cstart, $3  }
0xca: {  	[dreg:$0x1] =	wrdreg $0xFFFFFFFF  }
0xcb: {  	_ =	task.clear_ibuf [dreg:s12], $0x2FFFF;
	_ =	strace $0x9FFFFFFF  }
0xcc: {  	(tm) =	ssettm $0x7FFFFFFF  }
0xcd: {  	_ =	shalt  }
tec
execute0_lowered:
.L_overlay_start_1:
0x0: {  	(tag) =	ssettag $0x1  }
0x1: {  	s8 =	rddreg [dreg:$0x0]  }
0x2: {  	s9 =	rddreg [dreg:$0x1]  }
0x3: {  	s7 =	rddreg [dreg:$0x2]  }
0x4: {  	s1 =	rddreg [dreg:$0x3]  }
0x5: {  	s2 =	rddreg [dreg:$0x4]  }
0x6: {  	s3 =	rddreg [dreg:$0x5]  }
0x7: {  	s10 =	rddreg [dreg:$0x6]  }
0x8: {  	s0 =	rddreg [dreg:$0x7]  }
0x9: {  	s5 =	simm.s32 $0x0;
	s6 =	srdreg.scid;
	s4 =	stileid.u32  }
0xa: {  	s15 =	simm.s32 $0x200;
	s16 =	simm.s32 $0x400;
	s17 =	simm.s32 $0x4400  }
0xb: {  	s18 =	simm.s32 $0x1;
	s19 =	simm.s32 $0x2;
	s20 =	simm.s32 $0x3  }
0xc: {  	s21 =	simm.s32 $0x4;
	s22 =	simm.s32 $0x8810;
	s23 =	simm.s32 $0x0  }
0xd: {  	[smem:$0x7FF] =	sst s5;
	s6 =	sand.u32 $0x1, s6;
	s12 =	sshll.u32 s4, $0x7  }
0xe: {  	_ =	strace $0x80000047;
	s11 =	ssub.s32 $0x2, s6;
	s13 =	sshll.u32 s6, $0x6  }
0xf: {  	s6 =	sadd.s32 $0xF42A00, s7;
	s7 =	sadd.s32 $0x187000, s7;
	s14 =	sshrl.u32 s11, $0x1  }
0x10: {  	s12 =	sor.u32 s13, s12;
	s13 =	simm.s32 $0x8800;
	s11 =	ssub.s32 s11, s14  }
0x11: {  	v2 =	vlaneseq.u32;
	s8 =	sadd.s32 s8, s12;
	s9 =	sadd.s32 s9, s12;
	s10 =	sadd.s32 s10, s12  }
0x12: {  	v0 =	vimm.f32 $0.0e+00;
	v1 =	vimm.s32 $0x0;
	v2 =	vmul.u32 $0x20, v2;
	s12 =	simm.s32 $0x10;
	s14 =	simm.s32 $0x5;
	s11 =	smax.u32 s11, $0x1  }
.LBB2_1:
0x13: {  	[tilespmem:$0x8800] =	vst v0  }
0x14: {  	[tilespmem:$0x0] =	vst v1  }
0x15: {  	[tilespmem:s13], [sflag:$0x5] =	stream.indirect.gather [hbm4b:s3+s12], $0x1, s5, s12, $0xb8;
	[tilespmem:$0x8A10] =	vst v63  }
0x16: {  	_ =	swait.ge [sflag:s14], $0x10  }
0x17: {  	[sflag:s14] =	ssyncset.done $0x0  }
0x18: {  	[sflag:s14] =	ssyncadd.s32 $0xFFFFFFF0  }
0x19: {  	v3 =	vld [tilespmem:$0x8800];
	[tilespmem:s5], [sflag:$0x5] =	stream.linear.gather [hbm4b:s8+s5], $0x200, $0x38  }
0x1a: {  	_ =	swait.ge [sflag:s14], $0x200  }
0x1b: {  	[sflag:s14] =	ssyncset.done $0x0  }
0x1c: {  	[sflag:s14] =	ssyncadd.s32 $0xFFFFFE00  }
0x1d: {  	[tilespmem:s15], [sflag:$0x5] =	stream.linear.gather [hbm4b:s9+s5], $0x200, $0x38;
	[tilespmem:$0x8A10] =	vst v63  }
0x1e: {  	_ =	swait.ge [sflag:s14], $0x200  }
0x1f: {  	[sflag:s14] =	ssyncset.done $0x0  }
0x20: {  	[sflag:s14] =	ssyncadd.s32 $0xFFFFFE00  }
0x21: {  	[tilespmem:s16], [sflag:$0x1] =	stream.indirect.gather [hbm4b:s6+s15], $0x20, s5, s15, $0xb8;
	[tilespmem:$0x8A10] =	vst v63  }
0x22: {  	_ = 	snop  }
0x23: {  	[tilespmem:s17], [sflag:$0x2] =	stream.indirect.gather [hbm4b:s7+s15], $0x20, s15, s15, $0xb8;
	[tilespmem:$0x8A10] =	vst v63  }
0x24: {  	s24 =	simm.s32 $0x8400  }
0x25: {  	[tilespmem:s24], [sflag:$0x3] =	stream.indirect.gather [hbm4b:s1+s15], $0x1, s5, s15, $0xb8;
	[tilespmem:$0x8A10] =	vst v63  }
0x26: {  	s25 =	simm.s32 $0x8600  }
0x27: {  	[tilespmem:s25], [sflag:$0x4] =	stream.indirect.gather [hbm4b:s2+s15], $0x1, s15, s15, $0xb8;
	[tilespmem:$0x8A10] =	vst v63  }
0x28: {  	_ =	swait.ge [sflag:s18], $0x4000  }
0x29: {  	[sflag:s18] =	ssyncset.done $0x0  }
0x2a: {  	[sflag:s18] =	ssyncadd.s32 $0xFFFFC000  }
0x2b: {  	_ =	swait.ge [sflag:s19], $0x4000  }
0x2c: {  	[sflag:s19] =	ssyncset.done $0x0  }
0x2d: {  	[sflag:s19] =	ssyncadd.s32 $0xFFFFC000  }
0x2e: {  	_ =	swait.ge [sflag:s20], $0x200  }
0x2f: {  	v4 =	vmov s5;
	[sflag:s20] =	ssyncset.done $0x0  }
0x30: {  	v4 =	vshll.u32 v4, $0x5;
	[sflag:s20] =	ssyncadd.s32 $0xFFFFFE00  }
0x31: {  	v4 =	vor.u32 v2, v4;
	_ =	swait.ge [sflag:s21], $0x200  }
0x32: {  	[sflag:s21] =	ssyncset.done $0x0  }
0x33: {  	v5 =	vor.u32 $0x1, v4;
	[sflag:s21] =	ssyncadd.s32 $0xFFFFFE00  }
0x34: {  	v6 =	vld [tilespmem:s25+$0x0]  }
0x35: {  	v7 =	vor.u32 $0x2, v4;
	v8 =	vld [tilespmem:s24+$0x0]  }
0x36: {  	v9 =	vld.idx.msk [tilespmem:v4+s16+$0x0], $0xffff  }
0x37: {  	v11 =	vor.u32 $0x3, v4;
	v10 =	vld.idx.msk [tilespmem:v4+s17+$0x0], $0xffff  }
0x38: {  	v12 =	vld.idx.msk [tilespmem:v5+s16+$0x0], $0xffff  }
0x39: {  	v13 =	vor.u32 $0x4, v4;
	v5 =	vld.idx.msk [tilespmem:v5+s17+$0x0], $0xffff  }
0x3a: {  	v14 =	vld.idx.msk [tilespmem:v7+s16+$0x0], $0xffff;
	v6 =	vadd.f32 v6, v8  }
0x3b: {  	v7 =	vld.idx.msk [tilespmem:v7+s17+$0x0], $0xffff;
	v8 =	vor.u32 $0x5, v4  }
0x3c: {  	v15 =	vld.idx.msk [tilespmem:v11+s16+$0x0], $0xffff;
	v9 =	vmul.f32 v10, v9;
	v6 =	vadd.f32 v6, v3  }
0x3d: {  	v20 =	vor.u32 $0x6, v4;
	v63 =	vld.idx.msk [tilespmem:v11+s17+$0x0], $0xffff  }
0x3e: {  	v16 =	vld.idx.msk [tilespmem:v13+s16+$0x0], $0xffff;
	v5 =	vmul.f32 v5, v12;
	v6 =	vadd.f32 v9, v6  }
0x3f: {  	v22 =	vor.u32 $0x7, v4;
	v21 =	vld.idx.msk [tilespmem:v13+s17+$0x0], $0xffff  }
0x40: {  	v23 =	vld.idx.msk [tilespmem:v8+s16+$0x0], $0xffff;
	v5 =	vadd.f32 v5, v6;
	v6 =	vmul.f32 v7, v14  }
0x41: {  	v7 =	vld.idx.msk [tilespmem:v8+s17+$0x0], $0xffff;
	v8 =	vor.u32 $0x8, v4  }
0x42: {  	v24 =	vld.idx.msk [tilespmem:v20+s16+$0x0], $0xffff;
	v5 =	vadd.f32 v6, v5;
	v6 =	vmul.f32 v63, v15  }
0x43: {  	v26 =	vor.u32 $0x9, v4;
	v25 =	vld.idx.msk [tilespmem:v20+s17+$0x0], $0xffff  }
0x44: {  	v27 =	vld.idx.msk [tilespmem:v22+s16+$0x0], $0xffff;
	v5 =	vadd.f32 v6, v5;
	v6 =	vmul.f32 v21, v16  }
0x45: {  	v29 =	vor.u32 $0xA, v4;
	v28 =	vld.idx.msk [tilespmem:v22+s17+$0x0], $0xffff  }
0x46: {  	v30 =	vld.idx.msk [tilespmem:v8+s16+$0x0], $0xffff;
	v5 =	vadd.f32 v6, v5;
	v6 =	vmul.f32 v7, v23  }
0x47: {  	v7 =	vld.idx.msk [tilespmem:v8+s17+$0x0], $0xffff;
	v8 =	vor.u32 $0xB, v4  }
0x48: {  	v31 =	vld.idx.msk [tilespmem:v26+s16+$0x0], $0xffff;
	v5 =	vadd.f32 v6, v5;
	v6 =	vmul.f32 v25, v24  }
0x49: {  	v33 =	vor.u32 $0xC, v4;
	v32 =	vld.idx.msk [tilespmem:v26+s17+$0x0], $0xffff  }
0x4a: {  	v34 =	vld.idx.msk [tilespmem:v29+s16+$0x0], $0xffff;
	v5 =	vadd.f32 v6, v5;
	v6 =	vmul.f32 v28, v27  }
0x4b: {  	v36 =	vor.u32 $0xD, v4;
	v35 =	vld.idx.msk [tilespmem:v29+s17+$0x0], $0xffff  }
0x4c: {  	v37 =	vld.idx.msk [tilespmem:v8+s16+$0x0], $0xffff;
	v5 =	vadd.f32 v6, v5;
	v6 =	vmul.f32 v7, v30  }
0x4d: {  	v7 =	vld.idx.msk [tilespmem:v8+s17+$0x0], $0xffff;
	v8 =	vor.u32 $0xE, v4  }
0x4e: {  	v38 =	vld.idx.msk [tilespmem:v33+s16+$0x0], $0xffff;
	v5 =	vadd.f32 v6, v5;
	v6 =	vmul.f32 v32, v31  }
0x4f: {  	v40 =	vor.u32 $0xF, v4;
	v39 =	vld.idx.msk [tilespmem:v33+s17+$0x0], $0xffff  }
0x50: {  	v41 =	vld.idx.msk [tilespmem:v36+s16+$0x0], $0xffff;
	v5 =	vadd.f32 v6, v5;
	v6 =	vmul.f32 v35, v34  }
0x51: {  	v43 =	vor.u32 $0x10, v4;
	v42 =	vld.idx.msk [tilespmem:v36+s17+$0x0], $0xffff  }
0x52: {  	v44 =	vld.idx.msk [tilespmem:v8+s16+$0x0], $0xffff;
	v5 =	vadd.f32 v6, v5;
	v6 =	vmul.f32 v7, v37  }
0x53: {  	v7 =	vld.idx.msk [tilespmem:v8+s17+$0x0], $0xffff;
	v8 =	vor.u32 $0x11, v4  }
0x54: {  	v45 =	vld.idx.msk [tilespmem:v40+s16+$0x0], $0xffff;
	v5 =	vadd.f32 v6, v5;
	v6 =	vmul.f32 v39, v38  }
0x55: {  	v47 =	vor.u32 $0x12, v4;
	v46 =	vld.idx.msk [tilespmem:v40+s17+$0x0], $0xffff  }
0x56: {  	v48 =	vld.idx.msk [tilespmem:v43+s16+$0x0], $0xffff;
	v5 =	vadd.f32 v6, v5;
	v6 =	vmul.f32 v42, v41  }
0x57: {  	v50 =	vor.u32 $0x13, v4;
	v49 =	vld.idx.msk [tilespmem:v43+s17+$0x0], $0xffff  }
0x58: {  	v51 =	vld.idx.msk [tilespmem:v8+s16+$0x0], $0xffff;
	v5 =	vadd.f32 v6, v5;
	v6 =	vmul.f32 v7, v44  }
0x59: {  	v7 =	vld.idx.msk [tilespmem:v8+s17+$0x0], $0xffff;
	v8 =	vor.u32 $0x14, v4  }
0x5a: {  	v52 =	vld.idx.msk [tilespmem:v47+s16+$0x0], $0xffff;
	v5 =	vadd.f32 v6, v5;
	v6 =	vmul.f32 v46, v45  }
0x5b: {  	v54 =	vor.u32 $0x15, v4;
	v53 =	vld.idx.msk [tilespmem:v47+s17+$0x0], $0xffff  }
0x5c: {  	v55 =	vld.idx.msk [tilespmem:v50+s16+$0x0], $0xffff;
	v5 =	vadd.f32 v6, v5;
	v6 =	vmul.f32 v49, v48  }
0x5d: {  	v57 =	vor.u32 $0x16, v4;
	v56 =	vld.idx.msk [tilespmem:v50+s17+$0x0], $0xffff  }
0x5e: {  	v58 =	vld.idx.msk [tilespmem:v8+s16+$0x0], $0xffff;
	v5 =	vadd.f32 v6, v5;
	v6 =	vmul.f32 v7, v51  }
0x5f: {  	v7 =	vld.idx.msk [tilespmem:v8+s17+$0x0], $0xffff;
	v8 =	vor.u32 $0x17, v4  }
0x60: {  	v59 =	vld.idx.msk [tilespmem:v54+s16+$0x0], $0xffff;
	v5 =	vadd.f32 v6, v5;
	v6 =	vmul.f32 v53, v52  }
0x61: {  	v61 =	vor.u32 $0x18, v4;
	v60 =	vld.idx.msk [tilespmem:v54+s17+$0x0], $0xffff  }
0x62: {  	v62 =	vld.idx.msk [tilespmem:v57+s16+$0x0], $0xffff;
	v5 =	vadd.f32 v6, v5;
	v6 =	vmul.f32 v56, v55  }
0x63: {  	v20 =	vor.u32 $0x19, v4;
	v63 =	vld.idx.msk [tilespmem:v57+s17+$0x0], $0xffff  }
0x64: {  	v21 =	vld.idx.msk [tilespmem:v8+s16+$0x0], $0xffff;
	v5 =	vadd.f32 v6, v5;
	v6 =	vmul.f32 v7, v58  }
0x65: {  	v7 =	vld.idx.msk [tilespmem:v8+s17+$0x0], $0xffff;
	v8 =	vor.u32 $0x1A, v4  }
0x66: {  	v22 =	vld.idx.msk [tilespmem:v61+s16+$0x0], $0xffff;
	v5 =	vadd.f32 v6, v5;
	v6 =	vmul.f32 v60, v59  }
0x67: {  	v23 =	vld.idx.msk [tilespmem:v61+s17+$0x0], $0xffff;
	v24 =	vor.u32 $0x1B, v4  }
0x68: {  	v26 =	vld.idx.msk [tilespmem:v20+s17+$0x0], $0xffff;
	v5 =	vadd.f32 v6, v5;
	v6 =	vmul.f32 v63, v62  }
0x69: {  	v25 =	vld.idx.msk [tilespmem:v20+s16+$0x0], $0xffff;
	v27 =	vor.u32 $0x1C, v4  }
0x6a: {  	v28 =	vld.idx.msk [tilespmem:v8+s16+$0x0], $0xffff;
	v5 =	vadd.f32 v6, v5;
	v6 =	vmul.f32 v7, v21  }
0x6b: {  	v7 =	vld.idx.msk [tilespmem:v8+s17+$0x0], $0xffff;
	v8 =	vor.u32 $0x1D, v4  }
0x6c: {  	v29 =	vld.idx.msk [tilespmem:v24+s16+$0x0], $0xffff;
	v5 =	vadd.f32 v6, v5;
	v6 =	vmul.f32 v23, v22  }
0x6d: {  	v30 =	vld.idx.msk [tilespmem:v24+s17+$0x0], $0xffff;
	v31 =	vor.u32 $0x1E, v4  }
0x6e: {  	v32 =	vld.idx.msk [tilespmem:v27+s16+$0x0], $0xffff;
	v5 =	vadd.f32 v6, v5;
	v6 =	vmul.f32 v26, v25  }
0x6f: {  	v33 =	vld.idx.msk [tilespmem:v27+s17+$0x0], $0xffff;
	v4 =	vor.u32 $0x1F, v4  }
0x70: {  	v34 =	vld.idx.msk [tilespmem:v8+s16+$0x0], $0xffff;
	v5 =	vadd.f32 v6, v5;
	v6 =	vmul.f32 v7, v28  }
0x71: {  	v7 =	vld.idx.msk [tilespmem:v8+s17+$0x0], $0xffff  }
0x72: {  	v35 =	vld.idx.msk [tilespmem:v31+s17+$0x0], $0xffff;
	v5 =	vadd.f32 v6, v5;
	v6 =	vmul.f32 v30, v29  }
0x73: {  	v8 =	vld.idx.msk [tilespmem:v31+s16+$0x0], $0xffff  }
0x74: {  	v36 =	vld.idx.msk [tilespmem:v4+s16+$0x0], $0xffff;
	v5 =	vadd.f32 v6, v5;
	v6 =	vmul.f32 v33, v32  }
0x75: {  	v4 =	vld.idx.msk [tilespmem:v4+s17+$0x0], $0xffff  }
0x76: {  	v5 =	vadd.f32 v6, v5;
	v6 =	vmul.f32 v7, v34;
	_ =	sdelay $0x1  }
0x77: {  	v5 =	vadd.f32 v6, v5;
	v6 =	vmul.f32 v35, v8  }
0x78: {  	s31 =	simm.s32 $0x10  }
0x79: {  	v7 =	vmov s31;
	v5 =	vadd.f32 v6, v5;
	v6 =	vmul.f32 v4, v36  }
0x7a: {  	v4 =	vshll.u32 v7, $0x5  }
0x7b: {  	v4 =	vor.u32 v2, v4;
	v5 =	vadd.f32 v6, v5;
	_ =	sdelay $0x1  }
0x7c: {  	s24 =	simm.s32 $0x8610;
	v6 =	vor.u32 $0x1, v4;
	[tilespmem:s22+$0x0] =	vst v5  }
0x7d: {  	s25 =	simm.s32 $0x8410;
	v5 =	vld [tilespmem:s24+$0x0]  }
0x7e: {  	v7 =	vor.u32 $0x2, v4;
	v8 =	vld [tilespmem:s25+$0x0]  }
0x7f: {  	v37 =	vld.idx.msk [tilespmem:v4+s16+$0x0], $0xffff  }
0x80: {  	v39 =	vor.u32 $0x3, v4;
	v38 =	vld.idx.msk [tilespmem:v4+s17+$0x0], $0xffff  }
0x81: {  	v40 =	vld.idx.msk [tilespmem:v6+s16+$0x0], $0xffff  }
0x82: {  	v41 =	vor.u32 $0x4, v4;
	v6 =	vld.idx.msk [tilespmem:v6+s17+$0x0], $0xffff  }
0x83: {  	v42 =	vld.idx.msk [tilespmem:v7+s16+$0x0], $0xffff;
	v5 =	vadd.f32 v5, v8  }
0x84: {  	v7 =	vld.idx.msk [tilespmem:v7+s17+$0x0], $0xffff;
	v8 =	vor.u32 $0x5, v4  }
0x85: {  	v43 =	vld.idx.msk [tilespmem:v39+s16+$0x0], $0xffff;
	v9 =	vmul.f32 v38, v37;
	v5 =	vadd.f32 v5, v3  }
0x86: {  	v45 =	vor.u32 $0x6, v4;
	v44 =	vld.idx.msk [tilespmem:v39+s17+$0x0], $0xffff  }
0x87: {  	v46 =	vld.idx.msk [tilespmem:v41+s16+$0x0], $0xffff;
	v6 =	vmul.f32 v6, v40;
	v5 =	vadd.f32 v9, v5  }
0x88: {  	v48 =	vor.u32 $0x7, v4;
	v47 =	vld.idx.msk [tilespmem:v41+s17+$0x0], $0xffff  }
0x89: {  	v49 =	vld.idx.msk [tilespmem:v8+s16+$0x0], $0xffff;
	v5 =	vadd.f32 v6, v5;
	v6 =	vmul.f32 v7, v42  }
0x8a: {  	v7 =	vld.idx.msk [tilespmem:v8+s17+$0x0], $0xffff;
	v8 =	vor.u32 $0x8, v4  }
0x8b: {  	v50 =	vld.idx.msk [tilespmem:v45+s16+$0x0], $0xffff;
	v5 =	vadd.f32 v6, v5;
	v6 =	vmul.f32 v44, v43  }
0x8c: {  	v52 =	vor.u32 $0x9, v4;
	v51 =	vld.idx.msk [tilespmem:v45+s17+$0x0], $0xffff  }
0x8d: {  	v53 =	vld.idx.msk [tilespmem:v48+s16+$0x0], $0xffff;
	v5 =	vadd.f32 v6, v5;
	v6 =	vmul.f32 v47, v46  }
0x8e: {  	v55 =	vor.u32 $0xA, v4;
	v54 =	vld.idx.msk [tilespmem:v48+s17+$0x0], $0xffff  }
0x8f: {  	v56 =	vld.idx.msk [tilespmem:v8+s16+$0x0], $0xffff;
	v5 =	vadd.f32 v6, v5;
	v6 =	vmul.f32 v7, v49  }
0x90: {  	v7 =	vld.idx.msk [tilespmem:v8+s17+$0x0], $0xffff;
	v8 =	vor.u32 $0xB, v4  }
0x91: {  	v57 =	vld.idx.msk [tilespmem:v52+s16+$0x0], $0xffff;
	v5 =	vadd.f32 v6, v5;
	v6 =	vmul.f32 v51, v50  }
0x92: {  	v59 =	vor.u32 $0xC, v4;
	v58 =	vld.idx.msk [tilespmem:v52+s17+$0x0], $0xffff  }
0x93: {  	v60 =	vld.idx.msk [tilespmem:v55+s16+$0x0], $0xffff;
	v5 =	vadd.f32 v6, v5;
	v6 =	vmul.f32 v54, v53  }
0x94: {  	v62 =	vor.u32 $0xD, v4;
	v61 =	vld.idx.msk [tilespmem:v55+s17+$0x0], $0xffff  }
0x95: {  	v63 =	vld.idx.msk [tilespmem:v8+s16+$0x0], $0xffff;
	v5 =	vadd.f32 v6, v5;
	v6 =	vmul.f32 v7, v56  }
0x96: {  	v7 =	vld.idx.msk [tilespmem:v8+s17+$0x0], $0xffff;
	v8 =	vor.u32 $0xE, v4  }
0x97: {  	v20 =	vld.idx.msk [tilespmem:v59+s16+$0x0], $0xffff;
	v5 =	vadd.f32 v6, v5;
	v6 =	vmul.f32 v58, v57  }
0x98: {  	v22 =	vor.u32 $0xF, v4;
	v21 =	vld.idx.msk [tilespmem:v59+s17+$0x0], $0xffff  }
0x99: {  	v23 =	vld.idx.msk [tilespmem:v62+s16+$0x0], $0xffff;
	v5 =	vadd.f32 v6, v5;
	v6 =	vmul.f32 v61, v60  }
0x9a: {  	v25 =	vor.u32 $0x10, v4;
	v24 =	vld.idx.msk [tilespmem:v62+s17+$0x0], $0xffff  }
0x9b: {  	v26 =	vld.idx.msk [tilespmem:v8+s16+$0x0], $0xffff;
	v5 =	vadd.f32 v6, v5;
	v6 =	vmul.f32 v7, v63  }
0x9c: {  	v7 =	vld.idx.msk [tilespmem:v8+s17+$0x0], $0xffff;
	v8 =	vor.u32 $0x11, v4  }
0x9d: {  	v27 =	vld.idx.msk [tilespmem:v22+s16+$0x0], $0xffff;
	v5 =	vadd.f32 v6, v5;
	v6 =	vmul.f32 v21, v20  }
0x9e: {  	v29 =	vor.u32 $0x12, v4;
	v28 =	vld.idx.msk [tilespmem:v22+s17+$0x0], $0xffff  }
0x9f: {  	v30 =	vld.idx.msk [tilespmem:v25+s16+$0x0], $0xffff;
	v5 =	vadd.f32 v6, v5;
	v6 =	vmul.f32 v24, v23  }
0xa0: {  	v32 =	vor.u32 $0x13, v4;
	v31 =	vld.idx.msk [tilespmem:v25+s17+$0x0], $0xffff  }
0xa1: {  	v33 =	vld.idx.msk [tilespmem:v8+s16+$0x0], $0xffff;
	v5 =	vadd.f32 v6, v5;
	v6 =	vmul.f32 v7, v26  }
0xa2: {  	v7 =	vld.idx.msk [tilespmem:v8+s17+$0x0], $0xffff;
	v8 =	vor.u32 $0x14, v4  }
0xa3: {  	v34 =	vld.idx.msk [tilespmem:v29+s16+$0x0], $0xffff;
	v5 =	vadd.f32 v6, v5;
	v6 =	vmul.f32 v28, v27  }
0xa4: {  	v36 =	vor.u32 $0x15, v4;
	v35 =	vld.idx.msk [tilespmem:v29+s17+$0x0], $0xffff  }
0xa5: {  	v37 =	vld.idx.msk [tilespmem:v32+s16+$0x0], $0xffff;
	v5 =	vadd.f32 v6, v5;
	v6 =	vmul.f32 v31, v30  }
0xa6: {  	v39 =	vor.u32 $0x16, v4;
	v38 =	vld.idx.msk [tilespmem:v32+s17+$0x0], $0xffff  }
0xa7: {  	v40 =	vld.idx.msk [tilespmem:v8+s16+$0x0], $0xffff;
	v5 =	vadd.f32 v6, v5;
	v6 =	vmul.f32 v7, v33  }
0xa8: {  	v7 =	vld.idx.msk [tilespmem:v8+s17+$0x0], $0xffff;
	v8 =	vor.u32 $0x17, v4  }
0xa9: {  	v41 =	vld.idx.msk [tilespmem:v36+s16+$0x0], $0xffff;
	v5 =	vadd.f32 v6, v5;
	v6 =	vmul.f32 v35, v34  }
0xaa: {  	v42 =	vld.idx.msk [tilespmem:v36+s17+$0x0], $0xffff;
	v43 =	vor.u32 $0x18, v4  }
0xab: {  	v45 =	vld.idx.msk [tilespmem:v39+s17+$0x0], $0xffff;
	v5 =	vadd.f32 v6, v5;
	v6 =	vmul.f32 v38, v37  }
0xac: {  	v44 =	vld.idx.msk [tilespmem:v39+s16+$0x0], $0xffff;
	v46 =	vor.u32 $0x19, v4  }
0xad: {  	v47 =	vld.idx.msk [tilespmem:v8+s16+$0x0], $0xffff;
	v5 =	vadd.f32 v6, v5;
	v6 =	vmul.f32 v7, v40  }
0xae: {  	v7 =	vld.idx.msk [tilespmem:v8+s17+$0x0], $0xffff;
	v8 =	vor.u32 $0x1A, v4  }
0xaf: {  	v48 =	vld.idx.msk [tilespmem:v43+s16+$0x0], $0xffff;
	v5 =	vadd.f32 v6, v5;
	v6 =	vmul.f32 v42, v41  }
0xb0: {  	v49 =	vld.idx.msk [tilespmem:v43+s17+$0x0], $0xffff;
	v50 =	vor.u32 $0x1B, v4  }
0xb1: {  	v51 =	vld.idx.msk [tilespmem:v46+s16+$0x0], $0xffff;
	v5 =	vadd.f32 v6, v5;
	v6 =	vmul.f32 v45, v44  }
0xb2: {  	v52 =	vld.idx.msk [tilespmem:v46+s17+$0x0], $0xffff;
	v53 =	vor.u32 $0x1C, v4  }
0xb3: {  	v54 =	vld.idx.msk [tilespmem:v8+s16+$0x0], $0xffff;
	v5 =	vadd.f32 v6, v5;
	v6 =	vmul.f32 v7, v47  }
0xb4: {  	v7 =	vld.idx.msk [tilespmem:v8+s17+$0x0], $0xffff;
	v8 =	vor.u32 $0x1D, v4  }
0xb5: {  	v55 =	vld.idx.msk [tilespmem:v50+s16+$0x0], $0xffff;
	v5 =	vadd.f32 v6, v5;
	v6 =	vmul.f32 v49, v48  }
0xb6: {  	v56 =	vld.idx.msk [tilespmem:v50+s17+$0x0], $0xffff;
	v57 =	vor.u32 $0x1E, v4  }
0xb7: {  	v58 =	vld.idx.msk [tilespmem:v53+s16+$0x0], $0xffff;
	v5 =	vadd.f32 v6, v5;
	v6 =	vmul.f32 v52, v51  }
0xb8: {  	v59 =	vld.idx.msk [tilespmem:v53+s17+$0x0], $0xffff;
	v4 =	vor.u32 $0x1F, v4  }
0xb9: {  	v60 =	vld.idx.msk [tilespmem:v8+s16+$0x0], $0xffff;
	v5 =	vadd.f32 v6, v5;
	v6 =	vmul.f32 v7, v54  }
0xba: {  	v7 =	vld.idx.msk [tilespmem:v8+s17+$0x0], $0xffff  }
0xbb: {  	v61 =	vld.idx.msk [tilespmem:v57+s17+$0x0], $0xffff;
	v5 =	vadd.f32 v6, v5;
	v6 =	vmul.f32 v56, v55  }
0xbc: {  	v8 =	vld.idx.msk [tilespmem:v57+s16+$0x0], $0xffff  }
0xbd: {  	v62 =	vld.idx.msk [tilespmem:v4+s16+$0x0], $0xffff;
	v5 =	vadd.f32 v6, v5;
	v6 =	vmul.f32 v59, v58  }
0xbe: {  	v63 =	vld.idx.msk [tilespmem:v4+s17+$0x0], $0xffff  }
0xbf: {  	v4 =	vadd.f32 v6, v5;
	v5 =	vmul.f32 v7, v60;
	_ =	sdelay $0x1  }
0xc0: {  	s26 =	simm.s32 $0x20;
	v7 =	vmul.f32 v61, v8;
	v5 =	vadd.f32 v5, v4  }
0xc1: {  	v6 =	vmov s26  }
0xc2: {  	v4 =	vshll.u32 v6, $0x5;
	v6 =	vmul.f32 v63, v62;
	v5 =	vadd.f32 v7, v5  }
0xc3: {  	s28 =	simm.s32 $0x30;
	s26 =	simm.s32 $0x8810;
	v4 =	vor.u32 v2, v4  }
.LBB2_2:
0xc4: {  	p0 =	sne.s32 s28, $0x1F0;
	v5 =	vadd.f32 v6, v5  }
0xc5: {  	s26 =	sadd.s32 $0x10, s26  }
0xc6: {  	v6 =	vor.u32 $0x1, v4;
	[tilespmem:s26+$0x0] =	vst v5  }
0xc7: {  	s24 =	sadd.s32 $0x10, s24;
	v5 =	vld.idx.msk [tilespmem:v4+s16+$0x0], $0xffff  }
0xc8: {  	v8 =	vor.u32 $0x2, v4;
	s25 =	sadd.s32 $0x10, s25;
	v7 =	vld [tilespmem:s24+$0x0]  }
0xc9: {  	v9 =	vld [tilespmem:s25+$0x0]  }
0xca: {  	v11 =	vor.u32 $0x3, v4;
	v10 =	vld.idx.msk [tilespmem:v4+s17+$0x0], $0xffff  }
0xcb: {  	v12 =	vld.idx.msk [tilespmem:v6+s16+$0x0], $0xffff  }
0xcc: {  	v13 =	vor.u32 $0x4, v4;
	v6 =	vld.idx.msk [tilespmem:v6+s17+$0x0], $0xffff  }
0xcd: {  	v14 =	vld.idx.msk [tilespmem:v8+s16+$0x0], $0xffff  }
0xce: {  	v7 =	vadd.f32 v7, v9;
	v8 =	vld.idx.msk [tilespmem:v8+s17+$0x0], $0xffff;
	v9 =	vor.u32 $0x5, v4  }
0xcf: {  	v15 =	vld.idx.msk [tilespmem:v11+s16+$0x0], $0xffff  }
0xd0: {  	v5 =	vmul.f32 v10, v5;
	v7 =	vadd.f32 v7, v3;
	v10 =	vld.idx.msk [tilespmem:v11+s17+$0x0], $0xffff;
	v11 =	vor.u32 $0x6, v4  }
0xd1: {  	v16 =	vld.idx.msk [tilespmem:v13+s16+$0x0], $0xffff  }
0xd2: {  	v6 =	vmul.f32 v6, v12;
	v12 =	vor.u32 $0x7, v4;
	v5 =	vadd.f32 v5, v7;
	v7 =	vld.idx.msk [tilespmem:v13+s17+$0x0], $0xffff  }
0xd3: {  	v13 =	vld.idx.msk [tilespmem:v9+s16+$0x0], $0xffff  }
0xd4: {  	v5 =	vadd.f32 v6, v5;
	v6 =	vmul.f32 v8, v14;
	v8 =	vld.idx.msk [tilespmem:v9+s17+$0x0], $0xffff;
	v9 =	vor.u32 $0x8, v4  }
0xd5: {  	v14 =	vld.idx.msk [tilespmem:v11+s16+$0x0], $0xffff  }
0xd6: {  	v5 =	vadd.f32 v6, v5;
	v6 =	vmul.f32 v10, v15;
	v10 =	vld.idx.msk [tilespmem:v11+s17+$0x0], $0xffff;
	v11 =	vor.u32 $0x9, v4  }
0xd7: {  	v15 =	vld.idx.msk [tilespmem:v12+s16+$0x0], $0xffff  }
0xd8: {  	v5 =	vadd.f32 v6, v5;
	v6 =	vmul.f32 v7, v16;
	v7 =	vld.idx.msk [tilespmem:v12+s17+$0x0], $0xffff;
	v12 =	vor.u32 $0xA, v4  }
0xd9: {  	v16 =	vld.idx.msk [tilespmem:v9+s16+$0x0], $0xffff  }
0xda: {  	v5 =	vadd.f32 v6, v5;
	v6 =	vmul.f32 v8, v13;
	v8 =	vld.idx.msk [tilespmem:v9+s17+$0x0], $0xffff;
	v9 =	vor.u32 $0xB, v4  }
0xdb: {  	v13 =	vld.idx.msk [tilespmem:v11+s16+$0x0], $0xffff  }
0xdc: {  	v5 =	vadd.f32 v6, v5;
	v6 =	vmul.f32 v10, v14;
	v10 =	vld.idx.msk [tilespmem:v11+s17+$0x0], $0xffff;
	v11 =	vor.u32 $0xC, v4  }
0xdd: {  	v14 =	vld.idx.msk [tilespmem:v12+s16+$0x0], $0xffff  }
0xde: {  	v5 =	vadd.f32 v6, v5;
	v6 =	vmul.f32 v7, v15;
	v7 =	vld.idx.msk [tilespmem:v12+s17+$0x0], $0xffff;
	v12 =	vor.u32 $0xD, v4  }
0xdf: {  	v15 =	vld.idx.msk [tilespmem:v9+s16+$0x0], $0xffff  }
0xe0: {  	v5 =	vadd.f32 v6, v5;
	v6 =	vmul.f32 v8, v16;
	v8 =	vld.idx.msk [tilespmem:v9+s17+$0x0], $0xffff;
	v9 =	vor.u32 $0xE, v4  }
0xe1: {  	v16 =	vld.idx.msk [tilespmem:v11+s16+$0x0], $0xffff  }
0xe2: {  	v5 =	vadd.f32 v6, v5;
	v6 =	vmul.f32 v10, v13;
	v10 =	vld.idx.msk [tilespmem:v11+s17+$0x0], $0xffff;
	v11 =	vor.u32 $0xF, v4  }
0xe3: {  	v13 =	vld.idx.msk [tilespmem:v12+s16+$0x0], $0xffff  }
0xe4: {  	v5 =	vadd.f32 v6, v5;
	v6 =	vmul.f32 v7, v14;
	v7 =	vld.idx.msk [tilespmem:v12+s17+$0x0], $0xffff;
	v12 =	vor.u32 $0x10, v4  }
0xe5: {  	v14 =	vld.idx.msk [tilespmem:v9+s16+$0x0], $0xffff  }
0xe6: {  	v5 =	vadd.f32 v6, v5;
	v6 =	vmul.f32 v8, v15;
	v8 =	vld.idx.msk [tilespmem:v9+s17+$0x0], $0xffff;
	v9 =	vor.u32 $0x11, v4  }
0xe7: {  	v15 =	vld.idx.msk [tilespmem:v11+s16+$0x0], $0xffff  }
0xe8: {  	v5 =	vadd.f32 v6, v5;
	v6 =	vmul.f32 v10, v16;
	v10 =	vld.idx.msk [tilespmem:v11+s17+$0x0], $0xffff;
	v11 =	vor.u32 $0x12, v4  }
0xe9: {  	v16 =	vld.idx.msk [tilespmem:v12+s16+$0x0], $0xffff  }
0xea: {  	v5 =	vadd.f32 v6, v5;
	v6 =	vmul.f32 v7, v13;
	v7 =	vld.idx.msk [tilespmem:v12+s17+$0x0], $0xffff;
	v12 =	vor.u32 $0x13, v4  }
0xeb: {  	v13 =	vld.idx.msk [tilespmem:v9+s16+$0x0], $0xffff  }
0xec: {  	v5 =	vadd.f32 v6, v5;
	v6 =	vmul.f32 v8, v14;
	v8 =	vld.idx.msk [tilespmem:v9+s17+$0x0], $0xffff;
	v9 =	vor.u32 $0x14, v4  }
0xed: {  	v14 =	vld.idx.msk [tilespmem:v11+s16+$0x0], $0xffff  }
0xee: {  	v5 =	vadd.f32 v6, v5;
	v6 =	vmul.f32 v10, v15;
	v10 =	vld.idx.msk [tilespmem:v11+s17+$0x0], $0xffff;
	v11 =	vor.u32 $0x15, v4  }
0xef: {  	v15 =	vld.idx.msk [tilespmem:v12+s16+$0x0], $0xffff  }
0xf0: {  	v5 =	vadd.f32 v6, v5;
	v6 =	vmul.f32 v7, v16;
	v7 =	vld.idx.msk [tilespmem:v12+s17+$0x0], $0xffff;
	v12 =	vor.u32 $0x16, v4  }
0xf1: {  	v16 =	vld.idx.msk [tilespmem:v9+s16+$0x0], $0xffff  }
0xf2: {  	v5 =	vadd.f32 v6, v5;
	v6 =	vmul.f32 v8, v13;
	v8 =	vld.idx.msk [tilespmem:v9+s17+$0x0], $0xffff;
	v9 =	vor.u32 $0x17, v4  }
0xf3: {  	v13 =	vld.idx.msk [tilespmem:v11+s16+$0x0], $0xffff  }
0xf4: {  	v5 =	vadd.f32 v6, v5;
	v6 =	vmul.f32 v10, v14;
	v10 =	vld.idx.msk [tilespmem:v11+s17+$0x0], $0xffff;
	v11 =	vor.u32 $0x18, v4  }
0xf5: {  	v14 =	vld.idx.msk [tilespmem:v12+s16+$0x0], $0xffff  }
0xf6: {  	v5 =	vadd.f32 v6, v5;
	v6 =	vmul.f32 v7, v15;
	v7 =	vld.idx.msk [tilespmem:v12+s17+$0x0], $0xffff;
	v12 =	vor.u32 $0x19, v4  }
0xf7: {  	v15 =	vld.idx.msk [tilespmem:v9+s16+$0x0], $0xffff  }
0xf8: {  	v5 =	vadd.f32 v6, v5;
	v6 =	vmul.f32 v8, v16;
	v8 =	vld.idx.msk [tilespmem:v9+s17+$0x0], $0xffff;
	v9 =	vor.u32 $0x1A, v4  }
0xf9: {  	v16 =	vld.idx.msk [tilespmem:v11+s16+$0x0], $0xffff  }
0xfa: {  	v5 =	vadd.f32 v6, v5;
	v6 =	vmul.f32 v10, v13;
	v10 =	vld.idx.msk [tilespmem:v11+s17+$0x0], $0xffff;
	v11 =	vor.u32 $0x1B, v4  }
0xfb: {  	v13 =	vld.idx.msk [tilespmem:v12+s16+$0x0], $0xffff  }
0xfc: {  	v5 =	vadd.f32 v6, v5;
	v6 =	vmul.f32 v7, v14;
	v7 =	vld.idx.msk [tilespmem:v12+s17+$0x0], $0xffff;
	v12 =	vor.u32 $0x1C, v4  }
0xfd: {  	v14 =	vld.idx.msk [tilespmem:v9+s16+$0x0], $0xffff  }
0xfe: {  	v5 =	vadd.f32 v6, v5;
	v6 =	vmul.f32 v8, v15;
	v8 =	vld.idx.msk [tilespmem:v9+s17+$0x0], $0xffff;
	v9 =	vor.u32 $0x1D, v4  }
0xff: {  	v15 =	vld.idx.msk [tilespmem:v11+s16+$0x0], $0xffff  }
0x100: {  	v5 =	vadd.f32 v6, v5;
	v6 =	vmul.f32 v10, v16;
	v10 =	vld.idx.msk [tilespmem:v11+s17+$0x0], $0xffff;
	v11 =	vor.u32 $0x1E, v4  }
0x101: {  	v16 =	vld.idx.msk [tilespmem:v12+s16+$0x0], $0xffff  }
0x102: {  	v4 =	vor.u32 $0x1F, v4;
	v5 =	vadd.f32 v6, v5;
	v6 =	vmul.f32 v7, v13;
	v7 =	vld.idx.msk [tilespmem:v12+s17+$0x0], $0xffff  }
0x103: {  	v12 =	vld.idx.msk [tilespmem:v9+s16+$0x0], $0xffff  }
0x104: {  	v5 =	vadd.f32 v6, v5;
	v6 =	vmul.f32 v8, v14;
	v8 =	vld.idx.msk [tilespmem:v9+s17+$0x0], $0xffff  }
0x105: {  	v9 =	vld.idx.msk [tilespmem:v11+s16+$0x0], $0xffff  }
0x106: {  	v5 =	vadd.f32 v6, v5;
	v6 =	vmul.f32 v10, v15;
	v10 =	vld.idx.msk [tilespmem:v11+s17+$0x0], $0xffff  }
0x107: {  	v11 =	vld.idx.msk [tilespmem:v4+s16+$0x0], $0xffff  }
0x108: {  	v5 =	vadd.f32 v6, v5;
	v6 =	vmul.f32 v7, v16;
	v7 =	vld.idx.msk [tilespmem:v4+s17+$0x0], $0xffff;
	_ =	sdelay $0x1  }
0x109: {  	v4 =	vadd.f32 v6, v5;
	v5 =	vmul.f32 v8, v12  }
.Ltmp0:
0x10a: {  	(pc) =	sbr.rel @p0 .LBB2_2-.Ltmp0, $4  }
0x10b: {  	v6 =	vmov s28;
	v8 =	vmul.f32 v10, v9;
	v5 =	vadd.f32 v5, v4  }
0x10c: {  	v4 =	vshll.u32 v6, $0x5  }
0x10d: {  	v4 =	vor.u32 v2, v4;
	v6 =	vmul.f32 v7, v11;
	v5 =	vadd.f32 v8, v5  }
0x10e: {  	s28 =	sadd.s32 $0x10, s28  }
0x10f: {  	v5 =	vadd.f32 v6, v5  }
0x110: {  	s26 =	sadd.s32 $0x10, s26  }
0x111: {  	v45 =	vor.u32 $0x1, v4;
	s24 =	sadd.s32 $0x10, s24;
	[tilespmem:s26+$0x0] =	vst v5  }
0x112: {  	s30 =	sadd.s32 $0x10, s25;
	v5 =	vld [tilespmem:s24+$0x0]  }
0x113: {  	v7 =	vor.u32 $0x2, v4;
	v8 =	vld [tilespmem:s30+$0x0]  }
0x114: {  	v9 =	vld.idx.msk [tilespmem:v4+s16+$0x0], $0xffff  }
0x115: {  	v11 =	vor.u32 $0x3, v4;
	v10 =	vld.idx.msk [tilespmem:v4+s17+$0x0], $0xffff  }
0x116: {  	v12 =	vld.idx.msk [tilespmem:v45+s16+$0x0], $0xffff  }
0x117: {  	v13 =	vor.u32 $0x4, v4;
	v6 =	vld.idx.msk [tilespmem:v45+s17+$0x0], $0xffff  }
0x118: {  	v14 =	vld.idx.msk [tilespmem:v7+s16+$0x0], $0xffff;
	v5 =	vadd.f32 v5, v8  }
0x119: {  	v46 =	vor.u32 $0x5, v4;
	v7 =	vld.idx.msk [tilespmem:v7+s17+$0x0], $0xffff  }
0x11a: {  	v15 =	vld.idx.msk [tilespmem:v11+s16+$0x0], $0xffff;
	v47 =	vmul.f32 v10, v9;
	v3 =	vadd.f32 v5, v3  }
0x11b: {  	v49 =	vor.u32 $0x6, v4;
	v48 =	vld.idx.msk [tilespmem:v11+s17+$0x0], $0xffff  }
0x11c: {  	v50 =	vld.idx.msk [tilespmem:v13+s16+$0x0], $0xffff;
	v51 =	vmul.f32 v6, v12;
	v3 =	vadd.f32 v47, v3  }
0x11d: {  	v53 =	vor.u32 $0x7, v4;
	v52 =	vld.idx.msk [tilespmem:v13+s17+$0x0], $0xffff  }
0x11e: {  	v54 =	vld.idx.msk [tilespmem:v46+s16+$0x0], $0xffff;
	v55 =	vmul.f32 v7, v14;
	v3 =	vadd.f32 v51, v3  }
0x11f: {  	v57 =	vor.u32 $0x8, v4;
	v56 =	vld.idx.msk [tilespmem:v46+s17+$0x0], $0xffff  }
0x120: {  	v58 =	vld.idx.msk [tilespmem:v49+s16+$0x0], $0xffff;
	v59 =	vmul.f32 v48, v15;
	v3 =	vadd.f32 v55, v3  }
0x121: {  	v61 =	vor.u32 $0x9, v4;
	v60 =	vld.idx.msk [tilespmem:v49+s17+$0x0], $0xffff  }
0x122: {  	v62 =	vld.idx.msk [tilespmem:v53+s16+$0x0], $0xffff;
	v63 =	vmul.f32 v52, v50;
	v3 =	vadd.f32 v59, v3  }
0x123: {  	v17 =	vor.u32 $0xA, v4;
	v16 =	vld.idx.msk [tilespmem:v53+s17+$0x0], $0xffff  }
0x124: {  	v18 =	vld.idx.msk [tilespmem:v57+s16+$0x0], $0xffff;
	v19 =	vmul.f32 v56, v54;
	v3 =	vadd.f32 v63, v3  }
0x125: {  	v21 =	vor.u32 $0xB, v4;
	v20 =	vld.idx.msk [tilespmem:v57+s17+$0x0], $0xffff  }
0x126: {  	v22 =	vld.idx.msk [tilespmem:v61+s16+$0x0], $0xffff;
	v23 =	vmul.f32 v60, v58;
	v3 =	vadd.f32 v19, v3  }
0x127: {  	v25 =	vor.u32 $0xC, v4;
	v24 =	vld.idx.msk [tilespmem:v61+s17+$0x0], $0xffff  }
0x128: {  	v26 =	vld.idx.msk [tilespmem:v17+s16+$0x0], $0xffff;
	v27 =	vmul.f32 v16, v62;
	v3 =	vadd.f32 v23, v3  }
0x129: {  	v29 =	vor.u32 $0xD, v4;
	v28 =	vld.idx.msk [tilespmem:v17+s17+$0x0], $0xffff  }
0x12a: {  	v30 =	vld.idx.msk [tilespmem:v21+s16+$0x0], $0xffff;
	v31 =	vmul.f32 v20, v18;
	v3 =	vadd.f32 v27, v3  }
0x12b: {  	v33 =	vor.u32 $0xE, v4;
	v32 =	vld.idx.msk [tilespmem:v21+s17+$0x0], $0xffff  }
0x12c: {  	v34 =	vld.idx.msk [tilespmem:v25+s16+$0x0], $0xffff;
	v35 =	vmul.f32 v24, v22;
	v3 =	vadd.f32 v31, v3  }
0x12d: {  	v37 =	vor.u32 $0xF, v4;
	v36 =	vld.idx.msk [tilespmem:v25+s17+$0x0], $0xffff  }
0x12e: {  	v38 =	vld.idx.msk [tilespmem:v29+s16+$0x0], $0xffff;
	v39 =	vmul.f32 v28, v26;
	v3 =	vadd.f32 v35, v3  }
0x12f: {  	v41 =	vor.u32 $0x10, v4;
	v40 =	vld.idx.msk [tilespmem:v29+s17+$0x0], $0xffff  }
0x130: {  	v42 =	vld.idx.msk [tilespmem:v33+s16+$0x0], $0xffff;
	v43 =	vmul.f32 v32, v30;
	v3 =	vadd.f32 v39, v3  }
0x131: {  	v44 =	vld.idx.msk [tilespmem:v33+s17+$0x0], $0xffff;
	v45 =	vor.u32 $0x11, v4  }
0x132: {  	v46 =	vld.idx.msk [tilespmem:v37+s16+$0x0], $0xffff;
	v47 =	vmul.f32 v36, v34;
	v3 =	vadd.f32 v43, v3  }
0x133: {  	v49 =	vor.u32 $0x12, v4;
	v48 =	vld.idx.msk [tilespmem:v37+s17+$0x0], $0xffff  }
0x134: {  	v50 =	vld.idx.msk [tilespmem:v41+s16+$0x0], $0xffff;
	v51 =	vmul.f32 v40, v38;
	v3 =	vadd.f32 v47, v3  }
0x135: {  	v53 =	vor.u32 $0x13, v4;
	v52 =	vld.idx.msk [tilespmem:v41+s17+$0x0], $0xffff  }
0x136: {  	v54 =	vld.idx.msk [tilespmem:v45+s16+$0x0], $0xffff;
	v55 =	vmul.f32 v44, v42;
	v3 =	vadd.f32 v51, v3  }
0x137: {  	v57 =	vor.u32 $0x14, v4;
	v56 =	vld.idx.msk [tilespmem:v45+s17+$0x0], $0xffff  }
0x138: {  	v58 =	vld.idx.msk [tilespmem:v49+s16+$0x0], $0xffff;
	v59 =	vmul.f32 v48, v46;
	v3 =	vadd.f32 v55, v3  }
0x139: {  	v61 =	vor.u32 $0x15, v4;
	v60 =	vld.idx.msk [tilespmem:v49+s17+$0x0], $0xffff  }
0x13a: {  	v62 =	vld.idx.msk [tilespmem:v53+s16+$0x0], $0xffff;
	v63 =	vmul.f32 v52, v50;
	v3 =	vadd.f32 v59, v3  }
0x13b: {  	v17 =	vor.u32 $0x16, v4;
	v16 =	vld.idx.msk [tilespmem:v53+s17+$0x0], $0xffff  }
0x13c: {  	v18 =	vld.idx.msk [tilespmem:v57+s16+$0x0], $0xffff;
	v19 =	vmul.f32 v56, v54;
	v3 =	vadd.f32 v63, v3  }
0x13d: {  	v21 =	vor.u32 $0x17, v4;
	v20 =	vld.idx.msk [tilespmem:v57+s17+$0x0], $0xffff  }
0x13e: {  	v22 =	vld.idx.msk [tilespmem:v61+s16+$0x0], $0xffff;
	v23 =	vmul.f32 v60, v58;
	v3 =	vadd.f32 v19, v3  }
0x13f: {  	v25 =	vor.u32 $0x18, v4;
	v24 =	vld.idx.msk [tilespmem:v61+s17+$0x0], $0xffff  }
0x140: {  	v26 =	vld.idx.msk [tilespmem:v17+s16+$0x0], $0xffff;
	v27 =	vmul.f32 v16, v62;
	v3 =	vadd.f32 v23, v3  }
0x141: {  	v29 =	vor.u32 $0x19, v4;
	v28 =	vld.idx.msk [tilespmem:v17+s17+$0x0], $0xffff  }
0x142: {  	v30 =	vld.idx.msk [tilespmem:v21+s16+$0x0], $0xffff;
	v31 =	vmul.f32 v20, v18;
	v3 =	vadd.f32 v27, v3  }
0x143: {  	v33 =	vor.u32 $0x1A, v4;
	v32 =	vld.idx.msk [tilespmem:v21+s17+$0x0], $0xffff  }
0x144: {  	v34 =	vld.idx.msk [tilespmem:v25+s16+$0x0], $0xffff;
	v35 =	vmul.f32 v24, v22;
	v3 =	vadd.f32 v31, v3  }
0x145: {  	v37 =	vor.u32 $0x1B, v4;
	v36 =	vld.idx.msk [tilespmem:v25+s17+$0x0], $0xffff  }
0x146: {  	v38 =	vld.idx.msk [tilespmem:v29+s16+$0x0], $0xffff;
	v39 =	vmul.f32 v28, v26;
	v3 =	vadd.f32 v35, v3  }
0x147: {  	v41 =	vor.u32 $0x1C, v4;
	v40 =	vld.idx.msk [tilespmem:v29+s17+$0x0], $0xffff  }
0x148: {  	v42 =	vld.idx.msk [tilespmem:v33+s16+$0x0], $0xffff;
	v43 =	vmul.f32 v32, v30;
	v3 =	vadd.f32 v39, v3  }
0x149: {  	v45 =	vor.u32 $0x1D, v4;
	v44 =	vld.idx.msk [tilespmem:v33+s17+$0x0], $0xffff  }
0x14a: {  	v46 =	vld.idx.msk [tilespmem:v37+s16+$0x0], $0xffff;
	v47 =	vmul.f32 v36, v34;
	v3 =	vadd.f32 v43, v3  }
0x14b: {  	v49 =	vor.u32 $0x1E, v4;
	v48 =	vld.idx.msk [tilespmem:v37+s17+$0x0], $0xffff  }
0x14c: {  	v50 =	vld.idx.msk [tilespmem:v41+s16+$0x0], $0xffff;
	v51 =	vmul.f32 v40, v38;
	v3 =	vadd.f32 v47, v3  }
0x14d: {  	v53 =	vor.u32 $0x1F, v4;
	v52 =	vld.idx.msk [tilespmem:v41+s17+$0x0], $0xffff  }
0x14e: {  	v54 =	vld.idx.msk [tilespmem:v45+s16+$0x0], $0xffff;
	v55 =	vmul.f32 v44, v42;
	v3 =	vadd.f32 v51, v3  }
0x14f: {  	v56 =	vld.idx.msk [tilespmem:v45+s17+$0x0], $0xffff  }
0x150: {  	v57 =	vld.idx.msk [tilespmem:v49+s16+$0x0], $0xffff;
	v58 =	vmul.f32 v48, v46;
	v3 =	vadd.f32 v55, v3  }
0x151: {  	v59 =	vld.idx.msk [tilespmem:v49+s17+$0x0], $0xffff  }
0x152: {  	v4 =	vld.idx.msk [tilespmem:v53+s17+$0x0], $0xffff;
	v61 =	vmul.f32 v52, v50;
	v3 =	vadd.f32 v58, v3  }
0x153: {  	v60 =	vld.idx.msk [tilespmem:v53+s16+$0x0], $0xffff  }
0x154: {  	v62 =	vmul.f32 v56, v54;
	v3 =	vadd.f32 v61, v3;
	_ =	sdelay $0x1  }
0x155: {  	v63 =	vmul.f32 v59, v57;
	v3 =	vadd.f32 v62, v3;
	_ =	sdelay $0x1  }
0x156: {  	v4 =	vmul.f32 v4, v60;
	v3 =	vadd.f32 v63, v3;
	_ =	sdelay $0x1  }
0x157: {  	s23 =	sadd.s32 $0x1, s23;
	v3 =	vadd.f32 v4, v3  }
0x158: {  	s31 =	sadd.s32 $0x10, s26;
	p0 =	sne.s32 s23, s11  }
.Ltmp1:
0x159: {  	[tilespmem:s31+$0x0] =	vst v3;
	(pc) =	sbr.rel @p0 .LBB2_1-.Ltmp1, $4  }
0x15a: {  	[hbm4b:s10+s5] =	stream.linear.scatter [tilespmem:s22], [sflag:$0x5], $0x200, $0x38;
	[tilespmem:$0x8A10] =	vst v63  }
0x15b: {  	_ =	swait.ge [sflag:s14], $0x200  }
0x15c: {  	[sflag:s14] =	ssyncset.done $0x0  }
0x15d: {  	[sflag:s14] =	ssyncadd.s32 $0xFFFFFE00  }
0x15e: {  	_ =	sfence.sel $0x180000  }
0x15f: {  	[bflag:$0x0] =	sbarrier.arrive $0xFFFF  }
0x160: {  	p0 =	sne.s32 s4, $0x0;
	_ =	strace $0x90000047  }
0x161: {  	s0 =	sadd.s32 @!p0 $0x100000, s0;
	[bflag:$0x2] =	sbarrier.arrive $0xFFFF  }
0x162: {  	[sflag:s0] =	ssyncadd.tile.s32 @!p0 $0x1;
	_ =	shalt  }
.Lfunc_end2:
_tile_overlayer_lowered:
.L_overlay_start_2:
0x163: {  	(tag) =	ssettag $0x2  }
0x164: {  	s0 =	rddreg [dreg:$0x0];
	s2 =	stileid.u32  }
0x165: {  	s1 =	rddreg [dreg:$0x1];
	p0 =	sne.s32 s2, $0x0  }
0x166: {  	s3 =	rddreg [dreg:$0x2];
	[bflag:$0x3] =	sbarrier.arrive $0xFFFF;
	s2 =	simm.s32 @!p0 $0x1C05  }
0x167: {  	[timem:s3], [sflag:s2] =	dma.local @!p0 [hbm:s0], s1  }
0x168: {  	s0 =	simm.s32 @!p0 $0x5  }
0x169: {  	_ =	swait.ge @!p0 [sflag:s0], s1  }
0x16a: {  	s1 =	ssub.s32 @!p0 $0x0, s1;
	[sflag:s0] =	ssyncset.done @!p0 $0x0  }
0x16b: {  	[sflag:s0] =	ssyncadd.s32 @!p0 s1  }
0x16c: {  	[bflag:$0x3] =	sbarrier.arrive $0xFFFF  }
0x16d: {  	_ =	shalt  }

</sc_bundles>
